<compile_context>
chip_gen: v7x
topology: tpu7x:2x2x1
jax: 0.10.2.dev20260603
libtpu: 0.0.44.dev20260713+nightly
codegen_flags: <defaults>
</compile_context>

<pallas_src>
import functools

import jax
import jax.numpy as jnp
from jax import lax
from jax.experimental import pallas as pl
from jax.experimental.pallas import tpu as pltpu
from jax.experimental.pallas import tpu_sc as plsc

N = 10000
D = 128
E = 320000
NC = 2
NS = 16
NW = NC * NS
CH = 128
K0 = 132
K1 = 28
TOTCH = NS * (K0 + K1)
E_PAD = TOTCH * CH
NCH_DEG = TOTCH // NW
ACC_ROWS = 10240
ROWS_PER_TILE = ACC_ROWS // NS
JUNK_ROW = 10200



def _deg_body(dst_hbm, zeros_hbm, out_hbm, idx_d, acc):
    c = lax.axis_index("c")
    s = lax.axis_index("s")
    wid = c * NS + s
    pltpu.sync_copy(dst_hbm.at[wid], idx_d)
    pltpu.sync_copy(zeros_hbm, acc)
    ones16 = jnp.ones((16,), jnp.float32)

    def body(j, carry):
        def inner(k, carry2):
            idx = idx_d[j, pl.ds(k * 16, 16)]
            plsc.addupdate_scatter(acc, [idx], ones16)
            return carry2
        return lax.fori_loop(0, CH // 16, inner, carry)

    lax.fori_loop(0, NCH_DEG, body, 0)
    pltpu.sync_copy(acc, out_hbm.at[wid])


def _agg_body(eidx_hbm, srcf_hbm, dstf_hbm, p_hbm, zeros_hbm, out_hbm,
              ia, ib, bs, bd, rows, acc, isa, isb, gsa, gsb):
    c = lax.axis_index("c")
    s = lax.axis_index("s")
    rowbase = c * (NS * K0) + s * (K0 + c * (K1 - K0))

    ra = rows.at[0]
    rb = rows.at[1]

    def stage(j, ibuf, isem):
        pltpu.async_copy(eidx_hbm.at[rowbase + j], ibuf, isem)

    def wait_stage(ibuf, isem):
        pltpu.make_async_copy(eidx_hbm.at[0], ibuf, isem).wait()

    def gather(ibuf, rbuf, gsem):
        pltpu.async_copy(p_hbm.at[ibuf.at[0]], rbuf, gsem)

    def wait_g(rbuf, gsem):
        pltpu.make_async_copy(p_hbm.at[ia.at[0]], rbuf, gsem).wait()

    def scat(ibuf, rbuf):
        pltpu.sync_copy(rbuf, acc.at[ibuf.at[1]], add=True)

    def zbody(k, carry):
        pltpu.sync_copy(
            zeros_hbm, acc.at[pl.ds(s * ROWS_PER_TILE + k * CH, CH)])
        return carry

    lax.fori_loop(0, ROWS_PER_TILE // CH, zbody, 0)
    plsc.subcore_barrier()

    @pl.when(c == 0)
    def _pipelined():
        stage(0, ia, isa)
        wait_stage(ia, isa)
        gather(ia, ra, gsa)
        stage(1, ib, isb)

        def pair(jj, carry):
            j = 2 * jj
            wait_g(ra, gsa)
            wait_stage(ib, isb)
            gather(ib, rb, gsb)
            scat(ia, ra)
            stage(j + 2, ia, isa)
            wait_g(rb, gsb)
            wait_stage(ia, isa)
            gather(ia, ra, gsa)
            scat(ib, rb)
            stage(j + 3, ib, isb)
            return carry

        lax.fori_loop(0, K0 // 2 - 1, pair, 0)
        wait_g(ra, gsa)
        wait_stage(ib, isb)
        gather(ib, rb, gsb)
        scat(ia, ra)
        wait_g(rb, gsb)
        scat(ib, rb)

    @pl.when(c == 1)
    def _serial():
        pltpu.async_copy(srcf_hbm.at[s], bs, isa)
        pltpu.async_copy(dstf_hbm.at[s], bd, isa)
        pltpu.make_async_copy(srcf_hbm.at[0], bs, isa).wait()
        pltpu.make_async_copy(dstf_hbm.at[0], bd, isa).wait()

        def body(j, carry):
            pltpu.async_copy(p_hbm.at[bs.at[j]], ra, gsa)
            pltpu.make_async_copy(p_hbm.at[bs.at[j]], ra, gsa).wait()
            pltpu.sync_copy(ra, acc.at[bd.at[j]], add=True)
            return carry

        lax.fori_loop(0, K1, body, 0)

    plsc.subcore_barrier()
    pltpu.sync_copy(
        acc.at[pl.ds(s * ROWS_PER_TILE, ROWS_PER_TILE)],
        out_hbm.at[c, pl.ds(s * ROWS_PER_TILE, ROWS_PER_TILE)],
    )


@functools.lru_cache(maxsize=None)
def _sc_kernels():
    mesh = plsc.VectorSubcoreMesh(core_axis_name="c", subcore_axis_name="s")
    deg_sc = pl.kernel(
        _deg_body,
        out_type=jax.ShapeDtypeStruct((NW, ACC_ROWS), jnp.float32),
        mesh=mesh,
        scratch_types=[
            pltpu.VMEM((NCH_DEG, CH), jnp.int32),
            pltpu.VMEM((ACC_ROWS,), jnp.float32),
        ],
        compiler_params=pltpu.CompilerParams(needs_layout_passes=False),
    )
    agg_sc = pl.kernel(
        _agg_body,
        out_type=jax.ShapeDtypeStruct((NC, ACC_ROWS, D), jnp.float32),
        mesh=mesh,
        scratch_types=[
            pltpu.VMEM((2, CH), jnp.int32),
            pltpu.VMEM((2, CH), jnp.int32),
            pltpu.VMEM((K1, CH), jnp.int32),
            pltpu.VMEM((K1, CH), jnp.int32),
            pltpu.VMEM((2, CH, D), jnp.float32),
            pltpu.VMEM_SHARED((ACC_ROWS, D), jnp.float32),
            pltpu.SemaphoreType.DMA,
            pltpu.SemaphoreType.DMA,
            pltpu.SemaphoreType.DMA,
            pltpu.SemaphoreType.DMA,
        ],
    )
    return deg_sc, agg_sc



_BM = 1000
_NB = N // _BM
_BD = 1280
_NBD = ACC_ROWS // _BD


def _mm_body(x_ref, w_ref, o_ref):
    o_ref[...] = jnp.dot(x_ref[...], w_ref[...],
                         preferred_element_type=jnp.float32)


def _matmul_tc(x, w):
    return pl.pallas_call(
        _mm_body,
        grid=(_NB,),
        in_specs=[
            pl.BlockSpec((_BM, D), lambda i: (i, 0)),
            pl.BlockSpec((D, D), lambda i: (0, 0)),
        ],
        out_specs=pl.BlockSpec((_BM, D), lambda i: (i, 0)),
        out_shape=jax.ShapeDtypeStruct((N, D), jnp.float32),
    )(x, w)


def _dinv_body(degpt_ref, o_ref):
    deg = jnp.sum(degpt_ref[...], axis=1, keepdims=True) + 1.0
    o_ref[...] = jnp.broadcast_to(lax.rsqrt(deg), (_BD, D))


def _dinv_tc(degpt):
    return pl.pallas_call(
        _dinv_body,
        grid=(_NBD,),
        in_specs=[pl.BlockSpec((_BD, NW), lambda i: (i, 0))],
        out_specs=pl.BlockSpec((_BD, D), lambda i: (i, 0)),
        out_shape=jax.ShapeDtypeStruct((ACC_ROWS, D), jnp.float32),
    )(degpt)


def _mul_body(h_ref, dinv_ref, o_ref):
    o_ref[...] = h_ref[...] * dinv_ref[...]


def _mul_tc(h, dinvf):
    return pl.pallas_call(
        _mul_body,
        grid=(_NB,),
        in_specs=[
            pl.BlockSpec((_BM, D), lambda i: (i, 0)),
            pl.BlockSpec((_BM, D), lambda i: (i, 0)),
        ],
        out_specs=pl.BlockSpec((_BM, D), lambda i: (i, 0)),
        out_shape=jax.ShapeDtypeStruct((N, D), jnp.float32),
    )(h, dinvf)


def _mid_body(a_ref, p_ref, dinv_ref, b_ref, w_ref, o_ref):
    t = dinv_ref[...] * (a_ref[0] + a_ref[1] + p_ref[...]) + b_ref[...]
    t = jnp.maximum(t, 0.0)
    o_ref[...] = jnp.dot(t, w_ref[...],
                         preferred_element_type=jnp.float32) * dinv_ref[...]


def _mid_tc(aggp, p, dinvf, b, w):
    return pl.pallas_call(
        _mid_body,
        grid=(_NB,),
        in_specs=[
            pl.BlockSpec((NC, _BM, D), lambda i: (0, i, 0)),
            pl.BlockSpec((_BM, D), lambda i: (i, 0)),
            pl.BlockSpec((_BM, D), lambda i: (i, 0)),
            pl.BlockSpec((1, D), lambda i: (0, 0)),
            pl.BlockSpec((D, D), lambda i: (0, 0)),
        ],
        out_specs=pl.BlockSpec((_BM, D), lambda i: (i, 0)),
        out_shape=jax.ShapeDtypeStruct((N, D), jnp.float32),
    )(aggp, p, dinvf, b, w)


def _fin_body(a_ref, p_ref, dinv_ref, b_ref, o_ref):
    t = dinv_ref[...] * (a_ref[0] + a_ref[1] + p_ref[...]) + b_ref[...]
    o_ref[...] = jax.nn.sigmoid(t)


def _fin_tc(aggp, p, dinvf, b):
    return pl.pallas_call(
        _fin_body,
        grid=(_NB,),
        in_specs=[
            pl.BlockSpec((NC, _BM, D), lambda i: (0, i, 0)),
            pl.BlockSpec((_BM, D), lambda i: (i, 0)),
            pl.BlockSpec((_BM, D), lambda i: (i, 0)),
            pl.BlockSpec((1, D), lambda i: (0, 0)),
        ],
        out_specs=pl.BlockSpec((_BM, D), lambda i: (i, 0)),
        out_shape=jax.ShapeDtypeStruct((N, D), jnp.float32),
    )(aggp, p, dinvf, b)



def kernel(x, edge_index, W1, b1, W2, b2):
    ei = edge_index.astype(jnp.int32)
    pad = E_PAD - E
    src = jnp.concatenate([ei[0], jnp.zeros((pad,), jnp.int32)])
    dst = jnp.concatenate([ei[1], jnp.full((pad,), JUNK_ROW, jnp.int32)])
    srcf = src.reshape(TOTCH, CH)
    dstf = dst.reshape(TOTCH, CH)
    eidx = jnp.stack([srcf, dstf], axis=1)
    srcf1 = srcf[NS * K0:].reshape(NS, K1, CH)
    dstf1 = dstf[NS * K0:].reshape(NS, K1, CH)
    dst_r = dst.reshape(NW, NCH_DEG, CH)

    zeros_deg = jnp.zeros((ACC_ROWS,), jnp.float32)

    deg_sc, agg_sc = _sc_kernels()
    degp = deg_sc(dst_r, zeros_deg)
    h1 = _matmul_tc(x, W1)
    dinvf = _dinv_tc(degp.T)
    p1 = _mul_tc(h1, dinvf)

    zeros_rows = jnp.zeros((CH, D), jnp.float32)
    agg1 = agg_sc(eidx, srcf1, dstf1, p1, zeros_rows)
    p2 = _mid_tc(agg1, p1, dinvf, b1[None, :], W2)

    agg2 = agg_sc(eidx, srcf1, dstf1, p2, zeros_rows)
    return _fin_tc(agg2, p2, dinvf, b2[None, :])

# --- scband reference (transcript-rebuilt; emitter-appended) ---
"""Pipeline reference for scband-gcn-14328010899632 (READ-ONLY COPY).

The authoritative reference and input builder live on the scoring server;
editing this copy changes nothing except your own understanding.
"""

import jax, jax.numpy as jnp
import numpy as np

N_NODES = 10000
D_IN = 128
D_HID = 128
D_OUT = 128
N_EDGES = 320000


def _gcn_conv(x, edge_index, W, b, num_nodes):
    # Faithful GCNConv: add self-loops, symmetric normalization D^-1/2 (A+I) D^-1/2,
    # linear transform, scatter-add aggregation, bias.
    src = edge_index[0]
    dst = edge_index[1]
    loop = jnp.arange(num_nodes, dtype=edge_index.dtype)
    src = jnp.concatenate([src, loop])
    dst = jnp.concatenate([dst, loop])
    deg = jnp.zeros((num_nodes,), dtype=x.dtype).at[dst].add(1.0)
    deg_inv_sqrt = jnp.where(deg > 0, 1.0 / jnp.sqrt(deg), 0.0)
    norm = deg_inv_sqrt[src] * deg_inv_sqrt[dst]
    h = x @ W  # linear first (torch_geometric GCNConv order)
    msg = h[src] * norm[:, None]
    out = jnp.zeros((num_nodes, W.shape[1]), dtype=x.dtype).at[dst].add(msg)
    return out + b


def setup_inputs(seed: int = 0) -> dict:
    key = jax.random.key(seed)
    k1, k2, k3, k4, k5, k6 = jax.random.split(key, 6)
    x = jax.random.normal(k1, (N_NODES, D_IN), dtype=jnp.float32)
    edge_index = jax.random.randint(k2, (2, N_EDGES), 0, N_NODES, dtype=jnp.int64)
    s1 = 1.0 / np.sqrt(D_IN)
    s2 = 1.0 / np.sqrt(D_HID)
    W1 = jax.random.uniform(k3, (D_IN, D_HID), dtype=jnp.float32, minval=-s1, maxval=s1)
    b1 = jax.random.uniform(k4, (D_HID,), dtype=jnp.float32, minval=-s1, maxval=s1)
    W2 = jax.random.uniform(k5, (D_HID, D_OUT), dtype=jnp.float32, minval=-s2, maxval=s2)
    b2 = jax.random.uniform(k6, (D_OUT,), dtype=jnp.float32, minval=-s2, maxval=s2)
    return {"x": x, "edge_index": edge_index, "W1": W1, "b1": b1, "W2": W2, "b2": b2}


def reference(x, edge_index, W1, b1, W2, b2):
    h = _gcn_conv(x, edge_index, W1, b1, N_NODES)
    h = jax.nn.relu(h)
    h = _gcn_conv(h, edge_index, W2, b2, N_NODES)
    return jax.nn.sigmoid(h)

if __name__ == "__main__":
    import jax
    _d = setup_inputs()
    print(jax.jit(kernel)(*tuple(_d.values())))

</pallas_src>

<mosaic_0001>
#map = affine_map<(d0, d1) -> (0, 0, 0)>
#map1 = affine_map<(d0, d1) -> (0, 0)>
module attributes {stable_mosaic.version = 14 : i64} {
  func.func @_agg_body(%arg0: i32, %arg1: i32, %arg2: memref<2560x2x128xi32, #tpu.memory_space<hbm>>, %arg3: memref<16x28x128xi32, #tpu.memory_space<hbm>>, %arg4: memref<16x28x128xi32, #tpu.memory_space<hbm>>, %arg5: memref<10000x128xf32, #tpu.memory_space<hbm>>, %arg6: memref<128x128xf32, #tpu.memory_space<hbm>>, %arg7: memref<2x10240x128xf32, #tpu.memory_space<hbm>>, %arg8: memref<2x128xi32, #tpu.memory_space<vmem>>, %arg9: memref<2x128xi32, #tpu.memory_space<vmem>>, %arg10: memref<28x128xi32, #tpu.memory_space<vmem>>, %arg11: memref<28x128xi32, #tpu.memory_space<vmem>>, %arg12: memref<2x128x128xf32, #tpu.memory_space<vmem>>, %arg13: memref<10240x128xf32, #tpu.memory_space<vmem_shared>>, %arg14: memref<!tpu.dma_semaphore, #tpu.memory_space<semaphore_mem>>, %arg15: memref<!tpu.dma_semaphore, #tpu.memory_space<semaphore_mem>>, %arg16: memref<!tpu.dma_semaphore, #tpu.memory_space<semaphore_mem>>, %arg17: memref<!tpu.dma_semaphore, #tpu.memory_space<semaphore_mem>>) attributes {dimension_semantics = [#tpu.dimension_semantics<core_parallel>, #tpu.dimension_semantics<subcore_parallel>], iteration_bounds = array<i64: 2, 16>, scalar_prefetch = 0 : i64, scratch_operands = 10 : i64, tpu.core_type = #tpu.core_type<sc_vector_subcore>, window_params = [{transform_indices = #map}, {transform_indices = #map}, {transform_indices = #map}, {transform_indices = #map1}, {transform_indices = #map1}, {transform_indices = #map}]} {
    %mul3A = arith.constant 2112 : i32
    %mul3A_0 = arith.muli %arg0, %mul3A : i32
    %mul3A_1 = arith.constant -104 : i32
    %mul3A_2 = arith.muli %arg0, %mul3A_1 : i32
    %add3A = arith.constant 132 : i32
    %add3A_3 = arith.addi %add3A, %mul3A_2 : i32
    %mul3A_4 = arith.muli %arg1, %add3A_3 : i32
    %add3A_5 = arith.addi %mul3A_0, %mul3A_4 : i32
    %scan3A = arith.constant 0 : i32
    %scan3A_6 = arith.constant 0 : i32
    %scan3A_7 = arith.constant 5 : i32
    %scan3A_8 = arith.addi %scan3A_6, %scan3A_7 : i32
    %scan3A_9 = arith.constant 1 : i32
    scf.for %scan3A_26 = %scan3A_6 to %scan3A_8 step %scan3A_9  : i32 {
      %mul3A_27 = arith.constant 640 : i32
      %mul3A_28 = arith.muli %arg1, %mul3A_27 : i32
      %mul3A_29 = arith.constant 128 : i32
      %mul3A_30 = arith.muli %scan3A_26, %mul3A_29 : i32
      %add3A_31 = arith.addi %mul3A_28, %mul3A_30 : i32
      "tpu.region"() ({
        %run_scoped3A = tpu.sem_alloc : memref<!tpu.dma_semaphore, #tpu.memory_space<semaphore_mem>>
        %dma_start3A = arith.constant 0 : i32
        %dma_start3A_32 = tpu.memref_slice %arg13[%add3A_31, %dma_start3A] : memref<10240x128xf32, #tpu.memory_space<vmem_shared>> -> memref<128x128xf32, #tpu.memory_space<vmem_shared>>
        tpu.enqueue_dma source(%arg6 : memref<128x128xf32, #tpu.memory_space<hbm>>) target(%dma_start3A_32 : memref<128x128xf32, #tpu.memory_space<vmem_shared>>) target_semaphore(%run_scoped3A : memref<!tpu.dma_semaphore, #tpu.memory_space<semaphore_mem>>)
        %dma_wait3A = arith.constant 0 : i32
        %dma_wait3A_33 = tpu.memref_slice %arg13[%add3A_31, %dma_wait3A] : memref<10240x128xf32, #tpu.memory_space<vmem_shared>> -> memref<128x128xf32, #tpu.memory_space<vmem_shared>>
        tpu.wait_dma2 semaphore(%run_scoped3A : memref<!tpu.dma_semaphore, #tpu.memory_space<semaphore_mem>>) src(%arg6 : memref<128x128xf32, #tpu.memory_space<hbm>>) dst(%dma_wait3A_33 : memref<128x128xf32, #tpu.memory_space<vmem_shared>>)
        tpu.yield
      }) : () -> ()
    }
    %scan3A_10 = arith.constant 5 : i32
    %barrier3A = arith.constant 0 : index
    tpu.barrier barrier_id(%barrier3A)
    %eq3A = arith.constant 0 : i32
    %eq3A_11 = arith.cmpi eq, %arg0, %eq3A : i32
    %convert_element_type3A = arith.extui %eq3A_11 : i1 to i32
    %cond3A = arith.constant 0 : i32
    %cond3A_12 = arith.constant 1 : i32
    %cond3A_13 = arith.constant 0 : i32
    %cond3A_14 = arith.cmpi ne, %convert_element_type3A, %cond3A_13 : i32
    scf.if %cond3A_14 {
      %add3A_26 = arith.constant 0 : i32
      %add3A_27 = arith.addi %add3A_5, %add3A_26 : i32
      %dma_start3A = arith.constant 0 : i32
      %dma_start3A_28 = arith.constant 0 : i32
      %dma_start3A_29 = tpu.memref_slice %arg2[%add3A_27, %dma_start3A, %dma_start3A_28] : memref<2560x2x128xi32, #tpu.memory_space<hbm>> -> memref<1x2x128xi32, #tpu.memory_space<hbm>>
      %dma_start3A_30 = tpu.memref_squeeze %dma_start3A_29 : memref<1x2x128xi32, #tpu.memory_space<hbm>> -> memref<2x128xi32, #tpu.memory_space<hbm>>
      %dma_start3A_31 = arith.constant 0 : i32
      %dma_start3A_32 = arith.constant 0 : i32
      %dma_start3A_33 = tpu.memref_slice %arg2[%add3A_27, %dma_start3A_31, %dma_start3A_32] : memref<2560x2x128xi32, #tpu.memory_space<hbm>> -> memref<1x2x128xi32, #tpu.memory_space<hbm>>
      %dma_start3A_34 = tpu.memref_squeeze %dma_start3A_33 : memref<1x2x128xi32, #tpu.memory_space<hbm>> -> memref<2x128xi32, #tpu.memory_space<hbm>>
      tpu.enqueue_dma source(%dma_start3A_34 : memref<2x128xi32, #tpu.memory_space<hbm>>) target(%arg8 : memref<2x128xi32, #tpu.memory_space<vmem>>) target_semaphore(%arg14 : memref<!tpu.dma_semaphore, #tpu.memory_space<semaphore_mem>>)
      %dma_wait3A = arith.constant 0 : i32
      %dma_wait3A_35 = arith.constant 0 : i32
      %dma_wait3A_36 = arith.constant 0 : i32
      %dma_wait3A_37 = tpu.memref_slice %arg2[%dma_wait3A, %dma_wait3A_35, %dma_wait3A_36] : memref<2560x2x128xi32, #tpu.memory_space<hbm>> -> memref<1x2x128xi32, #tpu.memory_space<hbm>>
      %dma_wait3A_38 = tpu.memref_squeeze %dma_wait3A_37 : memref<1x2x128xi32, #tpu.memory_space<hbm>> -> memref<2x128xi32, #tpu.memory_space<hbm>>
      %dma_wait3A_39 = arith.constant 0 : i32
      %dma_wait3A_40 = arith.constant 0 : i32
      %dma_wait3A_41 = tpu.memref_slice %arg2[%dma_wait3A, %dma_wait3A_39, %dma_wait3A_40] : memref<2560x2x128xi32, #tpu.memory_space<hbm>> -> memref<1x2x128xi32, #tpu.memory_space<hbm>>
      %dma_wait3A_42 = tpu.memref_squeeze %dma_wait3A_41 : memref<1x2x128xi32, #tpu.memory_space<hbm>> -> memref<2x128xi32, #tpu.memory_space<hbm>>
      tpu.wait_dma2 semaphore(%arg14 : memref<!tpu.dma_semaphore, #tpu.memory_space<semaphore_mem>>) src(%dma_wait3A_42 : memref<2x128xi32, #tpu.memory_space<hbm>>) dst(%arg8 : memref<2x128xi32, #tpu.memory_space<vmem>>)
      %dma_start3A_43 = arith.constant 0 : i32
      %dma_start3A_44 = arith.constant 0 : i32
      %dma_start3A_45 = arith.constant 0 : i32
      %dma_start3A_46 = tpu.memref_slice %arg12[%cond3A, %dma_start3A_44, %dma_start3A_45] : memref<2x128x128xf32, #tpu.memory_space<vmem>> -> memref<1x128x128xf32, #tpu.memory_space<vmem>>
      %dma_start3A_47 = tpu.memref_squeeze %dma_start3A_46 : memref<1x128x128xf32, #tpu.memory_space<vmem>> -> memref<128x128xf32, #tpu.memory_space<vmem>>
      %dma_start3A_48 = arith.constant 0 : i32
      %dma_start3A_49 = tpu.memref_slice %arg8[%dma_start3A_43, %dma_start3A_48] : memref<2x128xi32, #tpu.memory_space<vmem>> -> memref<1x128xi32, #tpu.memory_space<vmem>>
      %dma_start3A_50 = tpu.memref_squeeze %dma_start3A_49 : memref<1x128xi32, #tpu.memory_space<vmem>> -> memref<128xi32, #tpu.memory_space<vmem>>
      %dma_start3A_51 = arith.constant 0 : i32
      %dma_start3A_52 = arith.constant 0 : i32
      %dma_start3A_53 = tpu.memref_slice %arg5[%dma_start3A_51, %dma_start3A_52] : memref<10000x128xf32, #tpu.memory_space<hbm>> -> memref<10000x128xf32, #tpu.memory_space<hbm>>
      tpu.enqueue_indirect_dma source(%dma_start3A_53 : memref<10000x128xf32, #tpu.memory_space<hbm>>) target(%dma_start3A_47 : memref<128x128xf32, #tpu.memory_space<vmem>>) offsets(%dma_start3A_50 : memref<128xi32, #tpu.memory_space<vmem>>) semaphore(%arg16 : memref<!tpu.dma_semaphore, #tpu.memory_space<semaphore_mem>>)
      %add3A_54 = arith.constant 1 : i32
      %add3A_55 = arith.addi %add3A_5, %add3A_54 : i32
      %dma_start3A_56 = arith.constant 0 : i32
      %dma_start3A_57 = arith.constant 0 : i32
      %dma_start3A_58 = tpu.memref_slice %arg2[%add3A_55, %dma_start3A_56, %dma_start3A_57] : memref<2560x2x128xi32, #tpu.memory_space<hbm>> -> memref<1x2x128xi32, #tpu.memory_space<hbm>>
      %dma_start3A_59 = tpu.memref_squeeze %dma_start3A_58 : memref<1x2x128xi32, #tpu.memory_space<hbm>> -> memref<2x128xi32, #tpu.memory_space<hbm>>
      %dma_start3A_60 = arith.constant 0 : i32
      %dma_start3A_61 = arith.constant 0 : i32
      %dma_start3A_62 = tpu.memref_slice %arg2[%add3A_55, %dma_start3A_60, %dma_start3A_61] : memref<2560x2x128xi32, #tpu.memory_space<hbm>> -> memref<1x2x128xi32, #tpu.memory_space<hbm>>
      %dma_start3A_63 = tpu.memref_squeeze %dma_start3A_62 : memref<1x2x128xi32, #tpu.memory_space<hbm>> -> memref<2x128xi32, #tpu.memory_space<hbm>>
      tpu.enqueue_dma source(%dma_start3A_63 : memref<2x128xi32, #tpu.memory_space<hbm>>) target(%arg9 : memref<2x128xi32, #tpu.memory_space<vmem>>) target_semaphore(%arg15 : memref<!tpu.dma_semaphore, #tpu.memory_space<semaphore_mem>>)
      %scan3A_64 = arith.constant 0 : i32
      %scan3A_65 = arith.constant 0 : i32
      %scan3A_66 = arith.constant 65 : i32
      %scan3A_67 = arith.addi %scan3A_65, %scan3A_66 : i32
      %scan3A_68 = arith.constant 1 : i32
      scf.for %scan3A_113 = %scan3A_65 to %scan3A_67 step %scan3A_68  : i32 {
        %mul3A_114 = arith.constant 2 : i32
        %mul3A_115 = arith.muli %mul3A_114, %scan3A_113 : i32
        %dma_wait3A_116 = arith.constant 0 : i32
        %dma_wait3A_117 = arith.constant 0 : i32
        %dma_wait3A_118 = arith.constant 0 : i32
        %dma_wait3A_119 = tpu.memref_slice %arg12[%cond3A, %dma_wait3A_117, %dma_wait3A_118] : memref<2x128x128xf32, #tpu.memory_space<vmem>> -> memref<1x128x128xf32, #tpu.memory_space<vmem>>
        %dma_wait3A_120 = tpu.memref_squeeze %dma_wait3A_119 : memref<1x128x128xf32, #tpu.memory_space<vmem>> -> memref<128x128xf32, #tpu.memory_space<vmem>>
        %dma_wait3A_121 = arith.constant 0 : i32
        %dma_wait3A_122 = tpu.memref_slice %arg8[%dma_wait3A_116, %dma_wait3A_121] : memref<2x128xi32, #tpu.memory_space<vmem>> -> memref<1x128xi32, #tpu.memory_space<vmem>>
        %dma_wait3A_123 = tpu.memref_squeeze %dma_wait3A_122 : memref<1x128xi32, #tpu.memory_space<vmem>> -> memref<128xi32, #tpu.memory_space<vmem>>
        %dma_wait3A_124 = arith.constant 0 : i32
        %dma_wait3A_125 = arith.constant 0 : i32
        %dma_wait3A_126 = tpu.memref_slice %arg5[%dma_wait3A_124, %dma_wait3A_125] : memref<10000x128xf32, #tpu.memory_space<hbm>> -> memref<10000x128xf32, #tpu.memory_space<hbm>>
        tpu.wait_indirect_dma semaphore(%arg16 : memref<!tpu.dma_semaphore, #tpu.memory_space<semaphore_mem>>) src(%dma_wait3A_126 : memref<10000x128xf32, #tpu.memory_space<hbm>>) dst(%dma_wait3A_120 : memref<128x128xf32, #tpu.memory_space<vmem>>)
        %dma_wait3A_127 = arith.constant 0 : i32
        %dma_wait3A_128 = arith.constant 0 : i32
        %dma_wait3A_129 = arith.constant 0 : i32
        %dma_wait3A_130 = tpu.memref_slice %arg2[%dma_wait3A_127, %dma_wait3A_128, %dma_wait3A_129] : memref<2560x2x128xi32, #tpu.memory_space<hbm>> -> memref<1x2x128xi32, #tpu.memory_space<hbm>>
        %dma_wait3A_131 = tpu.memref_squeeze %dma_wait3A_130 : memref<1x2x128xi32, #tpu.memory_space<hbm>> -> memref<2x128xi32, #tpu.memory_space<hbm>>
        %dma_wait3A_132 = arith.constant 0 : i32
        %dma_wait3A_133 = arith.constant 0 : i32
        %dma_wait3A_134 = tpu.memref_slice %arg2[%dma_wait3A_127, %dma_wait3A_132, %dma_wait3A_133] : memref<2560x2x128xi32, #tpu.memory_space<hbm>> -> memref<1x2x128xi32, #tpu.memory_space<hbm>>
        %dma_wait3A_135 = tpu.memref_squeeze %dma_wait3A_134 : memref<1x2x128xi32, #tpu.memory_space<hbm>> -> memref<2x128xi32, #tpu.memory_space<hbm>>
        tpu.wait_dma2 semaphore(%arg15 : memref<!tpu.dma_semaphore, #tpu.memory_space<semaphore_mem>>) src(%dma_wait3A_135 : memref<2x128xi32, #tpu.memory_space<hbm>>) dst(%arg9 : memref<2x128xi32, #tpu.memory_space<vmem>>)
        %dma_start3A_136 = arith.constant 0 : i32
        %dma_start3A_137 = arith.constant 0 : i32
        %dma_start3A_138 = arith.constant 0 : i32
        %dma_start3A_139 = tpu.memref_slice %arg12[%cond3A_12, %dma_start3A_137, %dma_start3A_138] : memref<2x128x128xf32, #tpu.memory_space<vmem>> -> memref<1x128x128xf32, #tpu.memory_space<vmem>>
        %dma_start3A_140 = tpu.memref_squeeze %dma_start3A_139 : memref<1x128x128xf32, #tpu.memory_space<vmem>> -> memref<128x128xf32, #tpu.memory_space<vmem>>
        %dma_start3A_141 = arith.constant 0 : i32
        %dma_start3A_142 = tpu.memref_slice %arg9[%dma_start3A_136, %dma_start3A_141] : memref<2x128xi32, #tpu.memory_space<vmem>> -> memref<1x128xi32, #tpu.memory_space<vmem>>
        %dma_start3A_143 = tpu.memref_squeeze %dma_start3A_142 : memref<1x128xi32, #tpu.memory_space<vmem>> -> memref<128xi32, #tpu.memory_space<vmem>>
        %dma_start3A_144 = arith.constant 0 : i32
        %dma_start3A_145 = arith.constant 0 : i32
        %dma_start3A_146 = tpu.memref_slice %arg5[%dma_start3A_144, %dma_start3A_145] : memref<10000x128xf32, #tpu.memory_space<hbm>> -> memref<10000x128xf32, #tpu.memory_space<hbm>>
        tpu.enqueue_indirect_dma source(%dma_start3A_146 : memref<10000x128xf32, #tpu.memory_space<hbm>>) target(%dma_start3A_140 : memref<128x128xf32, #tpu.memory_space<vmem>>) offsets(%dma_start3A_143 : memref<128xi32, #tpu.memory_space<vmem>>) semaphore(%arg17 : memref<!tpu.dma_semaphore, #tpu.memory_space<semaphore_mem>>)
        %run_scoped3A_147 = arith.constant 1 : i32
        "tpu.region"() ({
          %run_scoped3A_202 = tpu.sem_alloc : memref<!tpu.dma_semaphore, #tpu.memory_space<semaphore_mem>>
          %dma_start3A_203 = arith.constant 0 : i32
          %dma_start3A_204 = arith.constant 0 : i32
          %dma_start3A_205 = tpu.memref_slice %arg12[%cond3A, %dma_start3A_203, %dma_start3A_204] : memref<2x128x128xf32, #tpu.memory_space<vmem>> -> memref<1x128x128xf32, #tpu.memory_space<vmem>>
          %dma_start3A_206 = tpu.memref_squeeze %dma_start3A_205 : memref<1x128x128xf32, #tpu.memory_space<vmem>> -> memref<128x128xf32, #tpu.memory_space<vmem>>
          %dma_start3A_207 = arith.constant 0 : i32
          %dma_start3A_208 = tpu.memref_slice %arg8[%run_scoped3A_147, %dma_start3A_207] : memref<2x128xi32, #tpu.memory_space<vmem>> -> memref<1x128xi32, #tpu.memory_space<vmem>>
          %dma_start3A_209 = tpu.memref_squeeze %dma_start3A_208 : memref<1x128xi32, #tpu.memory_space<vmem>> -> memref<128xi32, #tpu.memory_space<vmem>>
          %dma_start3A_210 = arith.constant 0 : i32
          %dma_start3A_211 = arith.constant 0 : i32
          %dma_start3A_212 = tpu.memref_slice %arg13[%dma_start3A_210, %dma_start3A_211] : memref<10240x128xf32, #tpu.memory_space<vmem_shared>> -> memref<10240x128xf32, #tpu.memory_space<vmem_shared>>
          tpu.enqueue_indirect_dma source(%dma_start3A_206 : memref<128x128xf32, #tpu.memory_space<vmem>>) target(%dma_start3A_212 : memref<10240x128xf32, #tpu.memory_space<vmem_shared>>) offsets(%dma_start3A_209 : memref<128xi32, #tpu.memory_space<vmem>>) semaphore(%run_scoped3A_202 : memref<!tpu.dma_semaphore, #tpu.memory_space<semaphore_mem>>) {add = true}
          %dma_wait3A_213 = arith.constant 0 : i32
          %dma_wait3A_214 = arith.constant 0 : i32
          %dma_wait3A_215 = tpu.memref_slice %arg12[%cond3A, %dma_wait3A_213, %dma_wait3A_214] : memref<2x128x128xf32, #tpu.memory_space<vmem>> -> memref<1x128x128xf32, #tpu.memory_space<vmem>>
          %dma_wait3A_216 = tpu.memref_squeeze %dma_wait3A_215 : memref<1x128x128xf32, #tpu.memory_space<vmem>> -> memref<128x128xf32, #tpu.memory_space<vmem>>
          %dma_wait3A_217 = arith.constant 0 : i32
          %dma_wait3A_218 = tpu.memref_slice %arg8[%run_scoped3A_147, %dma_wait3A_217] : memref<2x128xi32, #tpu.memory_space<vmem>> -> memref<1x128xi32, #tpu.memory_space<vmem>>
          %dma_wait3A_219 = tpu.memref_squeeze %dma_wait3A_218 : memref<1x128xi32, #tpu.memory_space<vmem>> -> memref<128xi32, #tpu.memory_space<vmem>>
          %dma_wait3A_220 = arith.constant 0 : i32
          %dma_wait3A_221 = arith.constant 0 : i32
          %dma_wait3A_222 = tpu.memref_slice %arg13[%dma_wait3A_220, %dma_wait3A_221] : memref<10240x128xf32, #tpu.memory_space<vmem_shared>> -> memref<10240x128xf32, #tpu.memory_space<vmem_shared>>
          tpu.wait_indirect_dma semaphore(%run_scoped3A_202 : memref<!tpu.dma_semaphore, #tpu.memory_space<semaphore_mem>>) src(%dma_wait3A_216 : memref<128x128xf32, #tpu.memory_space<vmem>>) dst(%dma_wait3A_222 : memref<10240x128xf32, #tpu.memory_space<vmem_shared>>)
          tpu.yield
        }) : () -> ()
        %add3A_148 = arith.constant 2 : i32
        %add3A_149 = arith.addi %mul3A_115, %add3A_148 : i32
        %add3A_150 = arith.addi %add3A_5, %add3A_149 : i32
        %dma_start3A_151 = arith.constant 0 : i32
        %dma_start3A_152 = arith.constant 0 : i32
        %dma_start3A_153 = tpu.memref_slice %arg2[%add3A_150, %dma_start3A_151, %dma_start3A_152] : memref<2560x2x128xi32, #tpu.memory_space<hbm>> -> memref<1x2x128xi32, #tpu.memory_space<hbm>>
        %dma_start3A_154 = tpu.memref_squeeze %dma_start3A_153 : memref<1x2x128xi32, #tpu.memory_space<hbm>> -> memref<2x128xi32, #tpu.memory_space<hbm>>
        %dma_start3A_155 = arith.constant 0 : i32
        %dma_start3A_156 = arith.constant 0 : i32
        %dma_start3A_157 = tpu.memref_slice %arg2[%add3A_150, %dma_start3A_155, %dma_start3A_156] : memref<2560x2x128xi32, #tpu.memory_space<hbm>> -> memref<1x2x128xi32, #tpu.memory_space<hbm>>
        %dma_start3A_158 = tpu.memref_squeeze %dma_start3A_157 : memref<1x2x128xi32, #tpu.memory_space<hbm>> -> memref<2x128xi32, #tpu.memory_space<hbm>>
        tpu.enqueue_dma source(%dma_start3A_158 : memref<2x128xi32, #tpu.memory_space<hbm>>) target(%arg8 : memref<2x128xi32, #tpu.memory_space<vmem>>) target_semaphore(%arg14 : memref<!tpu.dma_semaphore, #tpu.memory_space<semaphore_mem>>)
        %dma_wait3A_159 = arith.constant 0 : i32
        %dma_wait3A_160 = arith.constant 0 : i32
        %dma_wait3A_161 = arith.constant 0 : i32
        %dma_wait3A_162 = tpu.memref_slice %arg12[%cond3A_12, %dma_wait3A_160, %dma_wait3A_161] : memref<2x128x128xf32, #tpu.memory_space<vmem>> -> memref<1x128x128xf32, #tpu.memory_space<vmem>>
        %dma_wait3A_163 = tpu.memref_squeeze %dma_wait3A_162 : memref<1x128x128xf32, #tpu.memory_space<vmem>> -> memref<128x128xf32, #tpu.memory_space<vmem>>
        %dma_wait3A_164 = arith.constant 0 : i32
        %dma_wait3A_165 = tpu.memref_slice %arg8[%dma_wait3A_159, %dma_wait3A_164] : memref<2x128xi32, #tpu.memory_space<vmem>> -> memref<1x128xi32, #tpu.memory_space<vmem>>
        %dma_wait3A_166 = tpu.memref_squeeze %dma_wait3A_165 : memref<1x128xi32, #tpu.memory_space<vmem>> -> memref<128xi32, #tpu.memory_space<vmem>>
        %dma_wait3A_167 = arith.constant 0 : i32
        %dma_wait3A_168 = arith.constant 0 : i32
        %dma_wait3A_169 = tpu.memref_slice %arg5[%dma_wait3A_167, %dma_wait3A_168] : memref<10000x128xf32, #tpu.memory_space<hbm>> -> memref<10000x128xf32, #tpu.memory_space<hbm>>
        tpu.wait_indirect_dma semaphore(%arg17 : memref<!tpu.dma_semaphore, #tpu.memory_space<semaphore_mem>>) src(%dma_wait3A_169 : memref<10000x128xf32, #tpu.memory_space<hbm>>) dst(%dma_wait3A_163 : memref<128x128xf32, #tpu.memory_space<vmem>>)
        %dma_wait3A_170 = arith.constant 0 : i32
        %dma_wait3A_171 = arith.constant 0 : i32
        %dma_wait3A_172 = arith.constant 0 : i32
        %dma_wait3A_173 = tpu.memref_slice %arg2[%dma_wait3A_170, %dma_wait3A_171, %dma_wait3A_172] : memref<2560x2x128xi32, #tpu.memory_space<hbm>> -> memref<1x2x128xi32, #tpu.memory_space<hbm>>
        %dma_wait3A_174 = tpu.memref_squeeze %dma_wait3A_173 : memref<1x2x128xi32, #tpu.memory_space<hbm>> -> memref<2x128xi32, #tpu.memory_space<hbm>>
        %dma_wait3A_175 = arith.constant 0 : i32
        %dma_wait3A_176 = arith.constant 0 : i32
        %dma_wait3A_177 = tpu.memref_slice %arg2[%dma_wait3A_170, %dma_wait3A_175, %dma_wait3A_176] : memref<2560x2x128xi32, #tpu.memory_space<hbm>> -> memref<1x2x128xi32, #tpu.memory_space<hbm>>
        %dma_wait3A_178 = tpu.memref_squeeze %dma_wait3A_177 : memref<1x2x128xi32, #tpu.memory_space<hbm>> -> memref<2x128xi32, #tpu.memory_space<hbm>>
        tpu.wait_dma2 semaphore(%arg14 : memref<!tpu.dma_semaphore, #tpu.memory_space<semaphore_mem>>) src(%dma_wait3A_178 : memref<2x128xi32, #tpu.memory_space<hbm>>) dst(%arg8 : memref<2x128xi32, #tpu.memory_space<vmem>>)
        %dma_start3A_179 = arith.constant 0 : i32
        %dma_start3A_180 = arith.constant 0 : i32
        %dma_start3A_181 = arith.constant 0 : i32
        %dma_start3A_182 = tpu.memref_slice %arg12[%cond3A, %dma_start3A_180, %dma_start3A_181] : memref<2x128x128xf32, #tpu.memory_space<vmem>> -> memref<1x128x128xf32, #tpu.memory_space<vmem>>
        %dma_start3A_183 = tpu.memref_squeeze %dma_start3A_182 : memref<1x128x128xf32, #tpu.memory_space<vmem>> -> memref<128x128xf32, #tpu.memory_space<vmem>>
        %dma_start3A_184 = arith.constant 0 : i32
        %dma_start3A_185 = tpu.memref_slice %arg8[%dma_start3A_179, %dma_start3A_184] : memref<2x128xi32, #tpu.memory_space<vmem>> -> memref<1x128xi32, #tpu.memory_space<vmem>>
        %dma_start3A_186 = tpu.memref_squeeze %dma_start3A_185 : memref<1x128xi32, #tpu.memory_space<vmem>> -> memref<128xi32, #tpu.memory_space<vmem>>
        %dma_start3A_187 = arith.constant 0 : i32
        %dma_start3A_188 = arith.constant 0 : i32
        %dma_start3A_189 = tpu.memref_slice %arg5[%dma_start3A_187, %dma_start3A_188] : memref<10000x128xf32, #tpu.memory_space<hbm>> -> memref<10000x128xf32, #tpu.memory_space<hbm>>
        tpu.enqueue_indirect_dma source(%dma_start3A_189 : memref<10000x128xf32, #tpu.memory_space<hbm>>) target(%dma_start3A_183 : memref<128x128xf32, #tpu.memory_space<vmem>>) offsets(%dma_start3A_186 : memref<128xi32, #tpu.memory_space<vmem>>) semaphore(%arg16 : memref<!tpu.dma_semaphore, #tpu.memory_space<semaphore_mem>>)
        %run_scoped3A_190 = arith.constant 1 : i32
        "tpu.region"() ({
          %run_scoped3A_202 = tpu.sem_alloc : memref<!tpu.dma_semaphore, #tpu.memory_space<semaphore_mem>>
          %dma_start3A_203 = arith.constant 0 : i32
          %dma_start3A_204 = arith.constant 0 : i32
          %dma_start3A_205 = tpu.memref_slice %arg12[%cond3A_12, %dma_start3A_203, %dma_start3A_204] : memref<2x128x128xf32, #tpu.memory_space<vmem>> -> memref<1x128x128xf32, #tpu.memory_space<vmem>>
          %dma_start3A_206 = tpu.memref_squeeze %dma_start3A_205 : memref<1x128x128xf32, #tpu.memory_space<vmem>> -> memref<128x128xf32, #tpu.memory_space<vmem>>
          %dma_start3A_207 = arith.constant 0 : i32
          %dma_start3A_208 = tpu.memref_slice %arg9[%run_scoped3A_190, %dma_start3A_207] : memref<2x128xi32, #tpu.memory_space<vmem>> -> memref<1x128xi32, #tpu.memory_space<vmem>>
          %dma_start3A_209 = tpu.memref_squeeze %dma_start3A_208 : memref<1x128xi32, #tpu.memory_space<vmem>> -> memref<128xi32, #tpu.memory_space<vmem>>
          %dma_start3A_210 = arith.constant 0 : i32
          %dma_start3A_211 = arith.constant 0 : i32
          %dma_start3A_212 = tpu.memref_slice %arg13[%dma_start3A_210, %dma_start3A_211] : memref<10240x128xf32, #tpu.memory_space<vmem_shared>> -> memref<10240x128xf32, #tpu.memory_space<vmem_shared>>
          tpu.enqueue_indirect_dma source(%dma_start3A_206 : memref<128x128xf32, #tpu.memory_space<vmem>>) target(%dma_start3A_212 : memref<10240x128xf32, #tpu.memory_space<vmem_shared>>) offsets(%dma_start3A_209 : memref<128xi32, #tpu.memory_space<vmem>>) semaphore(%run_scoped3A_202 : memref<!tpu.dma_semaphore, #tpu.memory_space<semaphore_mem>>) {add = true}
          %dma_wait3A_213 = arith.constant 0 : i32
          %dma_wait3A_214 = arith.constant 0 : i32
          %dma_wait3A_215 = tpu.memref_slice %arg12[%cond3A_12, %dma_wait3A_213, %dma_wait3A_214] : memref<2x128x128xf32, #tpu.memory_space<vmem>> -> memref<1x128x128xf32, #tpu.memory_space<vmem>>
          %dma_wait3A_216 = tpu.memref_squeeze %dma_wait3A_215 : memref<1x128x128xf32, #tpu.memory_space<vmem>> -> memref<128x128xf32, #tpu.memory_space<vmem>>
          %dma_wait3A_217 = arith.constant 0 : i32
          %dma_wait3A_218 = tpu.memref_slice %arg9[%run_scoped3A_190, %dma_wait3A_217] : memref<2x128xi32, #tpu.memory_space<vmem>> -> memref<1x128xi32, #tpu.memory_space<vmem>>
          %dma_wait3A_219 = tpu.memref_squeeze %dma_wait3A_218 : memref<1x128xi32, #tpu.memory_space<vmem>> -> memref<128xi32, #tpu.memory_space<vmem>>
          %dma_wait3A_220 = arith.constant 0 : i32
          %dma_wait3A_221 = arith.constant 0 : i32
          %dma_wait3A_222 = tpu.memref_slice %arg13[%dma_wait3A_220, %dma_wait3A_221] : memref<10240x128xf32, #tpu.memory_space<vmem_shared>> -> memref<10240x128xf32, #tpu.memory_space<vmem_shared>>
          tpu.wait_indirect_dma semaphore(%run_scoped3A_202 : memref<!tpu.dma_semaphore, #tpu.memory_space<semaphore_mem>>) src(%dma_wait3A_216 : memref<128x128xf32, #tpu.memory_space<vmem>>) dst(%dma_wait3A_222 : memref<10240x128xf32, #tpu.memory_space<vmem_shared>>)
          tpu.yield
        }) : () -> ()
        %add3A_191 = arith.constant 3 : i32
        %add3A_192 = arith.addi %mul3A_115, %add3A_191 : i32
        %add3A_193 = arith.addi %add3A_5, %add3A_192 : i32
        %dma_start3A_194 = arith.constant 0 : i32
        %dma_start3A_195 = arith.constant 0 : i32
        %dma_start3A_196 = tpu.memref_slice %arg2[%add3A_193, %dma_start3A_194, %dma_start3A_195] : memref<2560x2x128xi32, #tpu.memory_space<hbm>> -> memref<1x2x128xi32, #tpu.memory_space<hbm>>
        %dma_start3A_197 = tpu.memref_squeeze %dma_start3A_196 : memref<1x2x128xi32, #tpu.memory_space<hbm>> -> memref<2x128xi32, #tpu.memory_space<hbm>>
        %dma_start3A_198 = arith.constant 0 : i32
        %dma_start3A_199 = arith.constant 0 : i32
        %dma_start3A_200 = tpu.memref_slice %arg2[%add3A_193, %dma_start3A_198, %dma_start3A_199] : memref<2560x2x128xi32, #tpu.memory_space<hbm>> -> memref<1x2x128xi32, #tpu.memory_space<hbm>>
        %dma_start3A_201 = tpu.memref_squeeze %dma_start3A_200 : memref<1x2x128xi32, #tpu.memory_space<hbm>> -> memref<2x128xi32, #tpu.memory_space<hbm>>
        tpu.enqueue_dma source(%dma_start3A_201 : memref<2x128xi32, #tpu.memory_space<hbm>>) target(%arg9 : memref<2x128xi32, #tpu.memory_space<vmem>>) target_semaphore(%arg15 : memref<!tpu.dma_semaphore, #tpu.memory_space<semaphore_mem>>)
      }
      %scan3A_69 = arith.constant 65 : i32
      %dma_wait3A_70 = arith.constant 0 : i32
      %dma_wait3A_71 = arith.constant 0 : i32
      %dma_wait3A_72 = arith.constant 0 : i32
      %dma_wait3A_73 = tpu.memref_slice %arg12[%cond3A, %dma_wait3A_71, %dma_wait3A_72] : memref<2x128x128xf32, #tpu.memory_space<vmem>> -> memref<1x128x128xf32, #tpu.memory_space<vmem>>
      %dma_wait3A_74 = tpu.memref_squeeze %dma_wait3A_73 : memref<1x128x128xf32, #tpu.memory_space<vmem>> -> memref<128x128xf32, #tpu.memory_space<vmem>>
      %dma_wait3A_75 = arith.constant 0 : i32
      %dma_wait3A_76 = tpu.memref_slice %arg8[%dma_wait3A_70, %dma_wait3A_75] : memref<2x128xi32, #tpu.memory_space<vmem>> -> memref<1x128xi32, #tpu.memory_space<vmem>>
      %dma_wait3A_77 = tpu.memref_squeeze %dma_wait3A_76 : memref<1x128xi32, #tpu.memory_space<vmem>> -> memref<128xi32, #tpu.memory_space<vmem>>
      %dma_wait3A_78 = arith.constant 0 : i32
      %dma_wait3A_79 = arith.constant 0 : i32
      %dma_wait3A_80 = tpu.memref_slice %arg5[%dma_wait3A_78, %dma_wait3A_79] : memref<10000x128xf32, #tpu.memory_space<hbm>> -> memref<10000x128xf32, #tpu.memory_space<hbm>>
      tpu.wait_indirect_dma semaphore(%arg16 : memref<!tpu.dma_semaphore, #tpu.memory_space<semaphore_mem>>) src(%dma_wait3A_80 : memref<10000x128xf32, #tpu.memory_space<hbm>>) dst(%dma_wait3A_74 : memref<128x128xf32, #tpu.memory_space<vmem>>)
      %dma_wait3A_81 = arith.constant 0 : i32
      %dma_wait3A_82 = arith.constant 0 : i32
      %dma_wait3A_83 = arith.constant 0 : i32
      %dma_wait3A_84 = tpu.memref_slice %arg2[%dma_wait3A_81, %dma_wait3A_82, %dma_wait3A_83] : memref<2560x2x128xi32, #tpu.memory_space<hbm>> -> memref<1x2x128xi32, #tpu.memory_space<hbm>>
      %dma_wait3A_85 = tpu.memref_squeeze %dma_wait3A_84 : memref<1x2x128xi32, #tpu.memory_space<hbm>> -> memref<2x128xi32, #tpu.memory_space<hbm>>
      %dma_wait3A_86 = arith.constant 0 : i32
      %dma_wait3A_87 = arith.constant 0 : i32
      %dma_wait3A_88 = tpu.memref_slice %arg2[%dma_wait3A_81, %dma_wait3A_86, %dma_wait3A_87] : memref<2560x2x128xi32, #tpu.memory_space<hbm>> -> memref<1x2x128xi32, #tpu.memory_space<hbm>>
      %dma_wait3A_89 = tpu.memref_squeeze %dma_wait3A_88 : memref<1x2x128xi32, #tpu.memory_space<hbm>> -> memref<2x128xi32, #tpu.memory_space<hbm>>
      tpu.wait_dma2 semaphore(%arg15 : memref<!tpu.dma_semaphore, #tpu.memory_space<semaphore_mem>>) src(%dma_wait3A_89 : memref<2x128xi32, #tpu.memory_space<hbm>>) dst(%arg9 : memref<2x128xi32, #tpu.memory_space<vmem>>)
      %dma_start3A_90 = arith.constant 0 : i32
      %dma_start3A_91 = arith.constant 0 : i32
      %dma_start3A_92 = arith.constant 0 : i32
      %dma_start3A_93 = tpu.memref_slice %arg12[%cond3A_12, %dma_start3A_91, %dma_start3A_92] : memref<2x128x128xf32, #tpu.memory_space<vmem>> -> memref<1x128x128xf32, #tpu.memory_space<vmem>>
      %dma_start3A_94 = tpu.memref_squeeze %dma_start3A_93 : memref<1x128x128xf32, #tpu.memory_space<vmem>> -> memref<128x128xf32, #tpu.memory_space<vmem>>
      %dma_start3A_95 = arith.constant 0 : i32
      %dma_start3A_96 = tpu.memref_slice %arg9[%dma_start3A_90, %dma_start3A_95] : memref<2x128xi32, #tpu.memory_space<vmem>> -> memref<1x128xi32, #tpu.memory_space<vmem>>
      %dma_start3A_97 = tpu.memref_squeeze %dma_start3A_96 : memref<1x128xi32, #tpu.memory_space<vmem>> -> memref<128xi32, #tpu.memory_space<vmem>>
      %dma_start3A_98 = arith.constant 0 : i32
      %dma_start3A_99 = arith.constant 0 : i32
      %dma_start3A_100 = tpu.memref_slice %arg5[%dma_start3A_98, %dma_start3A_99] : memref<10000x128xf32, #tpu.memory_space<hbm>> -> memref<10000x128xf32, #tpu.memory_space<hbm>>
      tpu.enqueue_indirect_dma source(%dma_start3A_100 : memref<10000x128xf32, #tpu.memory_space<hbm>>) target(%dma_start3A_94 : memref<128x128xf32, #tpu.memory_space<vmem>>) offsets(%dma_start3A_97 : memref<128xi32, #tpu.memory_space<vmem>>) semaphore(%arg17 : memref<!tpu.dma_semaphore, #tpu.memory_space<semaphore_mem>>)
      %run_scoped3A = arith.constant 1 : i32
      "tpu.region"() ({
        %run_scoped3A_113 = tpu.sem_alloc : memref<!tpu.dma_semaphore, #tpu.memory_space<semaphore_mem>>
        %dma_start3A_114 = arith.constant 0 : i32
        %dma_start3A_115 = arith.constant 0 : i32
        %dma_start3A_116 = tpu.memref_slice %arg12[%cond3A, %dma_start3A_114, %dma_start3A_115] : memref<2x128x128xf32, #tpu.memory_space<vmem>> -> memref<1x128x128xf32, #tpu.memory_space<vmem>>
        %dma_start3A_117 = tpu.memref_squeeze %dma_start3A_116 : memref<1x128x128xf32, #tpu.memory_space<vmem>> -> memref<128x128xf32, #tpu.memory_space<vmem>>
        %dma_start3A_118 = arith.constant 0 : i32
        %dma_start3A_119 = tpu.memref_slice %arg8[%run_scoped3A, %dma_start3A_118] : memref<2x128xi32, #tpu.memory_space<vmem>> -> memref<1x128xi32, #tpu.memory_space<vmem>>
        %dma_start3A_120 = tpu.memref_squeeze %dma_start3A_119 : memref<1x128xi32, #tpu.memory_space<vmem>> -> memref<128xi32, #tpu.memory_space<vmem>>
        %dma_start3A_121 = arith.constant 0 : i32
        %dma_start3A_122 = arith.constant 0 : i32
        %dma_start3A_123 = tpu.memref_slice %arg13[%dma_start3A_121, %dma_start3A_122] : memref<10240x128xf32, #tpu.memory_space<vmem_shared>> -> memref<10240x128xf32, #tpu.memory_space<vmem_shared>>
        tpu.enqueue_indirect_dma source(%dma_start3A_117 : memref<128x128xf32, #tpu.memory_space<vmem>>) target(%dma_start3A_123 : memref<10240x128xf32, #tpu.memory_space<vmem_shared>>) offsets(%dma_start3A_120 : memref<128xi32, #tpu.memory_space<vmem>>) semaphore(%run_scoped3A_113 : memref<!tpu.dma_semaphore, #tpu.memory_space<semaphore_mem>>) {add = true}
        %dma_wait3A_124 = arith.constant 0 : i32
        %dma_wait3A_125 = arith.constant 0 : i32
        %dma_wait3A_126 = tpu.memref_slice %arg12[%cond3A, %dma_wait3A_124, %dma_wait3A_125] : memref<2x128x128xf32, #tpu.memory_space<vmem>> -> memref<1x128x128xf32, #tpu.memory_space<vmem>>
        %dma_wait3A_127 = tpu.memref_squeeze %dma_wait3A_126 : memref<1x128x128xf32, #tpu.memory_space<vmem>> -> memref<128x128xf32, #tpu.memory_space<vmem>>
        %dma_wait3A_128 = arith.constant 0 : i32
        %dma_wait3A_129 = tpu.memref_slice %arg8[%run_scoped3A, %dma_wait3A_128] : memref<2x128xi32, #tpu.memory_space<vmem>> -> memref<1x128xi32, #tpu.memory_space<vmem>>
        %dma_wait3A_130 = tpu.memref_squeeze %dma_wait3A_129 : memref<1x128xi32, #tpu.memory_space<vmem>> -> memref<128xi32, #tpu.memory_space<vmem>>
        %dma_wait3A_131 = arith.constant 0 : i32
        %dma_wait3A_132 = arith.constant 0 : i32
        %dma_wait3A_133 = tpu.memref_slice %arg13[%dma_wait3A_131, %dma_wait3A_132] : memref<10240x128xf32, #tpu.memory_space<vmem_shared>> -> memref<10240x128xf32, #tpu.memory_space<vmem_shared>>
        tpu.wait_indirect_dma semaphore(%run_scoped3A_113 : memref<!tpu.dma_semaphore, #tpu.memory_space<semaphore_mem>>) src(%dma_wait3A_127 : memref<128x128xf32, #tpu.memory_space<vmem>>) dst(%dma_wait3A_133 : memref<10240x128xf32, #tpu.memory_space<vmem_shared>>)
        tpu.yield
      }) : () -> ()
      %dma_wait3A_101 = arith.constant 0 : i32
      %dma_wait3A_102 = arith.constant 0 : i32
      %dma_wait3A_103 = arith.constant 0 : i32
      %dma_wait3A_104 = tpu.memref_slice %arg12[%cond3A_12, %dma_wait3A_102, %dma_wait3A_103] : memref<2x128x128xf32, #tpu.memory_space<vmem>> -> memref<1x128x128xf32, #tpu.memory_space<vmem>>
      %dma_wait3A_105 = tpu.memref_squeeze %dma_wait3A_104 : memref<1x128x128xf32, #tpu.memory_space<vmem>> -> memref<128x128xf32, #tpu.memory_space<vmem>>
      %dma_wait3A_106 = arith.constant 0 : i32
      %dma_wait3A_107 = tpu.memref_slice %arg8[%dma_wait3A_101, %dma_wait3A_106] : memref<2x128xi32, #tpu.memory_space<vmem>> -> memref<1x128xi32, #tpu.memory_space<vmem>>
      %dma_wait3A_108 = tpu.memref_squeeze %dma_wait3A_107 : memref<1x128xi32, #tpu.memory_space<vmem>> -> memref<128xi32, #tpu.memory_space<vmem>>
      %dma_wait3A_109 = arith.constant 0 : i32
      %dma_wait3A_110 = arith.constant 0 : i32
      %dma_wait3A_111 = tpu.memref_slice %arg5[%dma_wait3A_109, %dma_wait3A_110] : memref<10000x128xf32, #tpu.memory_space<hbm>> -> memref<10000x128xf32, #tpu.memory_space<hbm>>
      tpu.wait_indirect_dma semaphore(%arg17 : memref<!tpu.dma_semaphore, #tpu.memory_space<semaphore_mem>>) src(%dma_wait3A_111 : memref<10000x128xf32, #tpu.memory_space<hbm>>) dst(%dma_wait3A_105 : memref<128x128xf32, #tpu.memory_space<vmem>>)
      %run_scoped3A_112 = arith.constant 1 : i32
      "tpu.region"() ({
        %run_scoped3A_113 = tpu.sem_alloc : memref<!tpu.dma_semaphore, #tpu.memory_space<semaphore_mem>>
        %dma_start3A_114 = arith.constant 0 : i32
        %dma_start3A_115 = arith.constant 0 : i32
        %dma_start3A_116 = tpu.memref_slice %arg12[%cond3A_12, %dma_start3A_114, %dma_start3A_115] : memref<2x128x128xf32, #tpu.memory_space<vmem>> -> memref<1x128x128xf32, #tpu.memory_space<vmem>>
        %dma_start3A_117 = tpu.memref_squeeze %dma_start3A_116 : memref<1x128x128xf32, #tpu.memory_space<vmem>> -> memref<128x128xf32, #tpu.memory_space<vmem>>
        %dma_start3A_118 = arith.constant 0 : i32
        %dma_start3A_119 = tpu.memref_slice %arg9[%run_scoped3A_112, %dma_start3A_118] : memref<2x128xi32, #tpu.memory_space<vmem>> -> memref<1x128xi32, #tpu.memory_space<vmem>>
        %dma_start3A_120 = tpu.memref_squeeze %dma_start3A_119 : memref<1x128xi32, #tpu.memory_space<vmem>> -> memref<128xi32, #tpu.memory_space<vmem>>
        %dma_start3A_121 = arith.constant 0 : i32
        %dma_start3A_122 = arith.constant 0 : i32
        %dma_start3A_123 = tpu.memref_slice %arg13[%dma_start3A_121, %dma_start3A_122] : memref<10240x128xf32, #tpu.memory_space<vmem_shared>> -> memref<10240x128xf32, #tpu.memory_space<vmem_shared>>
        tpu.enqueue_indirect_dma source(%dma_start3A_117 : memref<128x128xf32, #tpu.memory_space<vmem>>) target(%dma_start3A_123 : memref<10240x128xf32, #tpu.memory_space<vmem_shared>>) offsets(%dma_start3A_120 : memref<128xi32, #tpu.memory_space<vmem>>) semaphore(%run_scoped3A_113 : memref<!tpu.dma_semaphore, #tpu.memory_space<semaphore_mem>>) {add = true}
        %dma_wait3A_124 = arith.constant 0 : i32
        %dma_wait3A_125 = arith.constant 0 : i32
        %dma_wait3A_126 = tpu.memref_slice %arg12[%cond3A_12, %dma_wait3A_124, %dma_wait3A_125] : memref<2x128x128xf32, #tpu.memory_space<vmem>> -> memref<1x128x128xf32, #tpu.memory_space<vmem>>
        %dma_wait3A_127 = tpu.memref_squeeze %dma_wait3A_126 : memref<1x128x128xf32, #tpu.memory_space<vmem>> -> memref<128x128xf32, #tpu.memory_space<vmem>>
        %dma_wait3A_128 = arith.constant 0 : i32
        %dma_wait3A_129 = tpu.memref_slice %arg9[%run_scoped3A_112, %dma_wait3A_128] : memref<2x128xi32, #tpu.memory_space<vmem>> -> memref<1x128xi32, #tpu.memory_space<vmem>>
        %dma_wait3A_130 = tpu.memref_squeeze %dma_wait3A_129 : memref<1x128xi32, #tpu.memory_space<vmem>> -> memref<128xi32, #tpu.memory_space<vmem>>
        %dma_wait3A_131 = arith.constant 0 : i32
        %dma_wait3A_132 = arith.constant 0 : i32
        %dma_wait3A_133 = tpu.memref_slice %arg13[%dma_wait3A_131, %dma_wait3A_132] : memref<10240x128xf32, #tpu.memory_space<vmem_shared>> -> memref<10240x128xf32, #tpu.memory_space<vmem_shared>>
        tpu.wait_indirect_dma semaphore(%run_scoped3A_113 : memref<!tpu.dma_semaphore, #tpu.memory_space<semaphore_mem>>) src(%dma_wait3A_127 : memref<128x128xf32, #tpu.memory_space<vmem>>) dst(%dma_wait3A_133 : memref<10240x128xf32, #tpu.memory_space<vmem_shared>>)
        tpu.yield
      }) : () -> ()
    } else {
    }
    %eq3A_15 = arith.constant 1 : i32
    %eq3A_16 = arith.cmpi eq, %arg0, %eq3A_15 : i32
    %convert_element_type3A_17 = arith.extui %eq3A_16 : i1 to i32
    %cond3A_18 = arith.constant 0 : i32
    %cond3A_19 = arith.constant 0 : i32
    %cond3A_20 = arith.cmpi ne, %convert_element_type3A_17, %cond3A_19 : i32
    scf.if %cond3A_20 {
      %dma_start3A = arith.constant 0 : i32
      %dma_start3A_26 = arith.constant 0 : i32
      %dma_start3A_27 = tpu.memref_slice %arg3[%arg1, %dma_start3A, %dma_start3A_26] : memref<16x28x128xi32, #tpu.memory_space<hbm>> -> memref<1x28x128xi32, #tpu.memory_space<hbm>>
      %dma_start3A_28 = tpu.memref_squeeze %dma_start3A_27 : memref<1x28x128xi32, #tpu.memory_space<hbm>> -> memref<28x128xi32, #tpu.memory_space<hbm>>
      %dma_start3A_29 = arith.constant 0 : i32
      %dma_start3A_30 = arith.constant 0 : i32
      %dma_start3A_31 = tpu.memref_slice %arg3[%arg1, %dma_start3A_29, %dma_start3A_30] : memref<16x28x128xi32, #tpu.memory_space<hbm>> -> memref<1x28x128xi32, #tpu.memory_space<hbm>>
      %dma_start3A_32 = tpu.memref_squeeze %dma_start3A_31 : memref<1x28x128xi32, #tpu.memory_space<hbm>> -> memref<28x128xi32, #tpu.memory_space<hbm>>
      tpu.enqueue_dma source(%dma_start3A_32 : memref<28x128xi32, #tpu.memory_space<hbm>>) target(%arg10 : memref<28x128xi32, #tpu.memory_space<vmem>>) target_semaphore(%arg14 : memref<!tpu.dma_semaphore, #tpu.memory_space<semaphore_mem>>)
      %dma_start3A_33 = arith.constant 0 : i32
      %dma_start3A_34 = arith.constant 0 : i32
      %dma_start3A_35 = tpu.memref_slice %arg4[%arg1, %dma_start3A_33, %dma_start3A_34] : memref<16x28x128xi32, #tpu.memory_space<hbm>> -> memref<1x28x128xi32, #tpu.memory_space<hbm>>
      %dma_start3A_36 = tpu.memref_squeeze %dma_start3A_35 : memref<1x28x128xi32, #tpu.memory_space<hbm>> -> memref<28x128xi32, #tpu.memory_space<hbm>>
      %dma_start3A_37 = arith.constant 0 : i32
      %dma_start3A_38 = arith.constant 0 : i32
      %dma_start3A_39 = tpu.memref_slice %arg4[%arg1, %dma_start3A_37, %dma_start3A_38] : memref<16x28x128xi32, #tpu.memory_space<hbm>> -> memref<1x28x128xi32, #tpu.memory_space<hbm>>
      %dma_start3A_40 = tpu.memref_squeeze %dma_start3A_39 : memref<1x28x128xi32, #tpu.memory_space<hbm>> -> memref<28x128xi32, #tpu.memory_space<hbm>>
      tpu.enqueue_dma source(%dma_start3A_40 : memref<28x128xi32, #tpu.memory_space<hbm>>) target(%arg11 : memref<28x128xi32, #tpu.memory_space<vmem>>) target_semaphore(%arg14 : memref<!tpu.dma_semaphore, #tpu.memory_space<semaphore_mem>>)
      %dma_wait3A = arith.constant 0 : i32
      %dma_wait3A_41 = arith.constant 0 : i32
      %dma_wait3A_42 = arith.constant 0 : i32
      %dma_wait3A_43 = tpu.memref_slice %arg3[%dma_wait3A, %dma_wait3A_41, %dma_wait3A_42] : memref<16x28x128xi32, #tpu.memory_space<hbm>> -> memref<1x28x128xi32, #tpu.memory_space<hbm>>
      %dma_wait3A_44 = tpu.memref_squeeze %dma_wait3A_43 : memref<1x28x128xi32, #tpu.memory_space<hbm>> -> memref<28x128xi32, #tpu.memory_space<hbm>>
      %dma_wait3A_45 = arith.constant 0 : i32
      %dma_wait3A_46 = arith.constant 0 : i32
      %dma_wait3A_47 = tpu.memref_slice %arg3[%dma_wait3A, %dma_wait3A_45, %dma_wait3A_46] : memref<16x28x128xi32, #tpu.memory_space<hbm>> -> memref<1x28x128xi32, #tpu.memory_space<hbm>>
      %dma_wait3A_48 = tpu.memref_squeeze %dma_wait3A_47 : memref<1x28x128xi32, #tpu.memory_space<hbm>> -> memref<28x128xi32, #tpu.memory_space<hbm>>
      tpu.wait_dma2 semaphore(%arg14 : memref<!tpu.dma_semaphore, #tpu.memory_space<semaphore_mem>>) src(%dma_wait3A_48 : memref<28x128xi32, #tpu.memory_space<hbm>>) dst(%arg10 : memref<28x128xi32, #tpu.memory_space<vmem>>)
      %dma_wait3A_49 = arith.constant 0 : i32
      %dma_wait3A_50 = arith.constant 0 : i32
      %dma_wait3A_51 = arith.constant 0 : i32
      %dma_wait3A_52 = tpu.memref_slice %arg4[%dma_wait3A_49, %dma_wait3A_50, %dma_wait3A_51] : memref<16x28x128xi32, #tpu.memory_space<hbm>> -> memref<1x28x128xi32, #tpu.memory_space<hbm>>
      %dma_wait3A_53 = tpu.memref_squeeze %dma_wait3A_52 : memref<1x28x128xi32, #tpu.memory_space<hbm>> -> memref<28x128xi32, #tpu.memory_space<hbm>>
      %dma_wait3A_54 = arith.constant 0 : i32
      %dma_wait3A_55 = arith.constant 0 : i32
      %dma_wait3A_56 = tpu.memref_slice %arg4[%dma_wait3A_49, %dma_wait3A_54, %dma_wait3A_55] : memref<16x28x128xi32, #tpu.memory_space<hbm>> -> memref<1x28x128xi32, #tpu.memory_space<hbm>>
      %dma_wait3A_57 = tpu.memref_squeeze %dma_wait3A_56 : memref<1x28x128xi32, #tpu.memory_space<hbm>> -> memref<28x128xi32, #tpu.memory_space<hbm>>
      tpu.wait_dma2 semaphore(%arg14 : memref<!tpu.dma_semaphore, #tpu.memory_space<semaphore_mem>>) src(%dma_wait3A_57 : memref<28x128xi32, #tpu.memory_space<hbm>>) dst(%arg11 : memref<28x128xi32, #tpu.memory_space<vmem>>)
      %scan3A_58 = arith.constant 0 : i32
      %scan3A_59 = arith.constant 0 : i32
      %scan3A_60 = arith.constant 28 : i32
      %scan3A_61 = arith.addi %scan3A_59, %scan3A_60 : i32
      %scan3A_62 = arith.constant 1 : i32
      scf.for %scan3A_64 = %scan3A_59 to %scan3A_61 step %scan3A_62  : i32 {
        %dma_start3A_65 = arith.constant 0 : i32
        %dma_start3A_66 = arith.constant 0 : i32
        %dma_start3A_67 = tpu.memref_slice %arg12[%cond3A_18, %dma_start3A_65, %dma_start3A_66] : memref<2x128x128xf32, #tpu.memory_space<vmem>> -> memref<1x128x128xf32, #tpu.memory_space<vmem>>
        %dma_start3A_68 = tpu.memref_squeeze %dma_start3A_67 : memref<1x128x128xf32, #tpu.memory_space<vmem>> -> memref<128x128xf32, #tpu.memory_space<vmem>>
        %dma_start3A_69 = arith.constant 0 : i32
        %dma_start3A_70 = tpu.memref_slice %arg10[%scan3A_64, %dma_start3A_69] : memref<28x128xi32, #tpu.memory_space<vmem>> -> memref<1x128xi32, #tpu.memory_space<vmem>>
        %dma_start3A_71 = tpu.memref_squeeze %dma_start3A_70 : memref<1x128xi32, #tpu.memory_space<vmem>> -> memref<128xi32, #tpu.memory_space<vmem>>
        %dma_start3A_72 = arith.constant 0 : i32
        %dma_start3A_73 = arith.constant 0 : i32
        %dma_start3A_74 = tpu.memref_slice %arg5[%dma_start3A_72, %dma_start3A_73] : memref<10000x128xf32, #tpu.memory_space<hbm>> -> memref<10000x128xf32, #tpu.memory_space<hbm>>
        tpu.enqueue_indirect_dma source(%dma_start3A_74 : memref<10000x128xf32, #tpu.memory_space<hbm>>) target(%dma_start3A_68 : memref<128x128xf32, #tpu.memory_space<vmem>>) offsets(%dma_start3A_71 : memref<128xi32, #tpu.memory_space<vmem>>) semaphore(%arg16 : memref<!tpu.dma_semaphore, #tpu.memory_space<semaphore_mem>>)
        %dma_wait3A_75 = arith.constant 0 : i32
        %dma_wait3A_76 = arith.constant 0 : i32
        %dma_wait3A_77 = tpu.memref_slice %arg12[%cond3A_18, %dma_wait3A_75, %dma_wait3A_76] : memref<2x128x128xf32, #tpu.memory_space<vmem>> -> memref<1x128x128xf32, #tpu.memory_space<vmem>>
        %dma_wait3A_78 = tpu.memref_squeeze %dma_wait3A_77 : memref<1x128x128xf32, #tpu.memory_space<vmem>> -> memref<128x128xf32, #tpu.memory_space<vmem>>
        %dma_wait3A_79 = arith.constant 0 : i32
        %dma_wait3A_80 = tpu.memref_slice %arg10[%scan3A_64, %dma_wait3A_79] : memref<28x128xi32, #tpu.memory_space<vmem>> -> memref<1x128xi32, #tpu.memory_space<vmem>>
        %dma_wait3A_81 = tpu.memref_squeeze %dma_wait3A_80 : memref<1x128xi32, #tpu.memory_space<vmem>> -> memref<128xi32, #tpu.memory_space<vmem>>
        %dma_wait3A_82 = arith.constant 0 : i32
        %dma_wait3A_83 = arith.constant 0 : i32
        %dma_wait3A_84 = tpu.memref_slice %arg5[%dma_wait3A_82, %dma_wait3A_83] : memref<10000x128xf32, #tpu.memory_space<hbm>> -> memref<10000x128xf32, #tpu.memory_space<hbm>>
        tpu.wait_indirect_dma semaphore(%arg16 : memref<!tpu.dma_semaphore, #tpu.memory_space<semaphore_mem>>) src(%dma_wait3A_84 : memref<10000x128xf32, #tpu.memory_space<hbm>>) dst(%dma_wait3A_78 : memref<128x128xf32, #tpu.memory_space<vmem>>)
        "tpu.region"() ({
          %run_scoped3A = tpu.sem_alloc : memref<!tpu.dma_semaphore, #tpu.memory_space<semaphore_mem>>
          %dma_start3A_85 = arith.constant 0 : i32
          %dma_start3A_86 = arith.constant 0 : i32
          %dma_start3A_87 = tpu.memref_slice %arg12[%cond3A_18, %dma_start3A_85, %dma_start3A_86] : memref<2x128x128xf32, #tpu.memory_space<vmem>> -> memref<1x128x128xf32, #tpu.memory_space<vmem>>
          %dma_start3A_88 = tpu.memref_squeeze %dma_start3A_87 : memref<1x128x128xf32, #tpu.memory_space<vmem>> -> memref<128x128xf32, #tpu.memory_space<vmem>>
          %dma_start3A_89 = arith.constant 0 : i32
          %dma_start3A_90 = tpu.memref_slice %arg11[%scan3A_64, %dma_start3A_89] : memref<28x128xi32, #tpu.memory_space<vmem>> -> memref<1x128xi32, #tpu.memory_space<vmem>>
          %dma_start3A_91 = tpu.memref_squeeze %dma_start3A_90 : memref<1x128xi32, #tpu.memory_space<vmem>> -> memref<128xi32, #tpu.memory_space<vmem>>
          %dma_start3A_92 = arith.constant 0 : i32
          %dma_start3A_93 = arith.constant 0 : i32
          %dma_start3A_94 = tpu.memref_slice %arg13[%dma_start3A_92, %dma_start3A_93] : memref<10240x128xf32, #tpu.memory_space<vmem_shared>> -> memref<10240x128xf32, #tpu.memory_space<vmem_shared>>
          tpu.enqueue_indirect_dma source(%dma_start3A_88 : memref<128x128xf32, #tpu.memory_space<vmem>>) target(%dma_start3A_94 : memref<10240x128xf32, #tpu.memory_space<vmem_shared>>) offsets(%dma_start3A_91 : memref<128xi32, #tpu.memory_space<vmem>>) semaphore(%run_scoped3A : memref<!tpu.dma_semaphore, #tpu.memory_space<semaphore_mem>>) {add = true}
          %dma_wait3A_95 = arith.constant 0 : i32
          %dma_wait3A_96 = arith.constant 0 : i32
          %dma_wait3A_97 = tpu.memref_slice %arg12[%cond3A_18, %dma_wait3A_95, %dma_wait3A_96] : memref<2x128x128xf32, #tpu.memory_space<vmem>> -> memref<1x128x128xf32, #tpu.memory_space<vmem>>
          %dma_wait3A_98 = tpu.memref_squeeze %dma_wait3A_97 : memref<1x128x128xf32, #tpu.memory_space<vmem>> -> memref<128x128xf32, #tpu.memory_space<vmem>>
          %dma_wait3A_99 = arith.constant 0 : i32
          %dma_wait3A_100 = tpu.memref_slice %arg11[%scan3A_64, %dma_wait3A_99] : memref<28x128xi32, #tpu.memory_space<vmem>> -> memref<1x128xi32, #tpu.memory_space<vmem>>
          %dma_wait3A_101 = tpu.memref_squeeze %dma_wait3A_100 : memref<1x128xi32, #tpu.memory_space<vmem>> -> memref<128xi32, #tpu.memory_space<vmem>>
          %dma_wait3A_102 = arith.constant 0 : i32
          %dma_wait3A_103 = arith.constant 0 : i32
          %dma_wait3A_104 = tpu.memref_slice %arg13[%dma_wait3A_102, %dma_wait3A_103] : memref<10240x128xf32, #tpu.memory_space<vmem_shared>> -> memref<10240x128xf32, #tpu.memory_space<vmem_shared>>
          tpu.wait_indirect_dma semaphore(%run_scoped3A : memref<!tpu.dma_semaphore, #tpu.memory_space<semaphore_mem>>) src(%dma_wait3A_98 : memref<128x128xf32, #tpu.memory_space<vmem>>) dst(%dma_wait3A_104 : memref<10240x128xf32, #tpu.memory_space<vmem_shared>>)
          tpu.yield
        }) : () -> ()
      }
      %scan3A_63 = arith.constant 28 : i32
    } else {
    }
    %barrier3A_21 = arith.constant 0 : index
    tpu.barrier barrier_id(%barrier3A_21)
    %mul3A_22 = arith.constant 640 : i32
    %mul3A_23 = arith.muli %arg1, %mul3A_22 : i32
    %mul3A_24 = arith.constant 640 : i32
    %mul3A_25 = arith.muli %arg1, %mul3A_24 : i32
    "tpu.region"() ({
      %run_scoped3A = tpu.sem_alloc : memref<!tpu.dma_semaphore, #tpu.memory_space<semaphore_mem>>
      %dma_start3A = arith.constant 0 : i32
      %dma_start3A_26 = tpu.memref_slice %arg7[%arg0, %mul3A_25, %dma_start3A] : memref<2x10240x128xf32, #tpu.memory_space<hbm>> -> memref<1x640x128xf32, #tpu.memory_space<hbm>>
      %dma_start3A_27 = tpu.memref_squeeze %dma_start3A_26 : memref<1x640x128xf32, #tpu.memory_space<hbm>> -> memref<640x128xf32, #tpu.memory_space<hbm>>
      %dma_start3A_28 = arith.constant 0 : i32
      %dma_start3A_29 = tpu.memref_slice %arg13[%mul3A_23, %dma_start3A_28] : memref<10240x128xf32, #tpu.memory_space<vmem_shared>> -> memref<640x128xf32, #tpu.memory_space<vmem_shared>>
      tpu.enqueue_dma source(%dma_start3A_29 : memref<640x128xf32, #tpu.memory_space<vmem_shared>>) target(%dma_start3A_27 : memref<640x128xf32, #tpu.memory_space<hbm>>) target_semaphore(%run_scoped3A : memref<!tpu.dma_semaphore, #tpu.memory_space<semaphore_mem>>)
      %dma_wait3A = arith.constant 0 : i32
      %dma_wait3A_30 = tpu.memref_slice %arg7[%arg0, %mul3A_25, %dma_wait3A] : memref<2x10240x128xf32, #tpu.memory_space<hbm>> -> memref<1x640x128xf32, #tpu.memory_space<hbm>>
      %dma_wait3A_31 = tpu.memref_squeeze %dma_wait3A_30 : memref<1x640x128xf32, #tpu.memory_space<hbm>> -> memref<640x128xf32, #tpu.memory_space<hbm>>
      %dma_wait3A_32 = arith.constant 0 : i32
      %dma_wait3A_33 = tpu.memref_slice %arg13[%mul3A_23, %dma_wait3A_32] : memref<10240x128xf32, #tpu.memory_space<vmem_shared>> -> memref<640x128xf32, #tpu.memory_space<vmem_shared>>
      tpu.wait_dma2 semaphore(%run_scoped3A : memref<!tpu.dma_semaphore, #tpu.memory_space<semaphore_mem>>) src(%dma_wait3A_33 : memref<640x128xf32, #tpu.memory_space<vmem_shared>>) dst(%dma_wait3A_31 : memref<640x128xf32, #tpu.memory_space<hbm>>)
      tpu.yield
    }) : () -> ()
    return
  }
}

#map = affine_map<(d0, d1) -> (0, 0, 0)>
#map1 = affine_map<(d0, d1) -> (0)>
#map2 = affine_map<(d0, d1) -> (0, 0)>
module attributes {stable_mosaic.version = 14 : i64} {
  func.func @_deg_body(%arg0: i32, %arg1: i32, %arg2: memref<32x80x128xi32, #tpu.memory_space<hbm>>, %arg3: memref<10240xf32, #tpu.memory_space<hbm>>, %arg4: memref<32x10240xf32, #tpu.memory_space<hbm>>, %arg5: memref<80x128xi32, #tpu.memory_space<vmem>>, %arg6: memref<10240xf32, #tpu.memory_space<vmem>>) attributes {dimension_semantics = [#tpu.dimension_semantics<core_parallel>, #tpu.dimension_semantics<subcore_parallel>], iteration_bounds = array<i64: 2, 16>, scalar_prefetch = 0 : i64, scratch_operands = 2 : i64, tpu.core_type = #tpu.core_type<sc_vector_subcore>, window_params = [{transform_indices = #map}, {transform_indices = #map1}, {transform_indices = #map2}]} {
    %mul3A = arith.constant 16 : i32
    %mul3A_0 = arith.muli %arg0, %mul3A : i32
    %add3A = arith.addi %mul3A_0, %arg1 : i32
    "tpu.region"() ({
      %run_scoped3A = tpu.sem_alloc : memref<!tpu.dma_semaphore, #tpu.memory_space<semaphore_mem>>
      %dma_start3A = arith.constant 0 : i32
      %dma_start3A_7 = arith.constant 0 : i32
      %dma_start3A_8 = tpu.memref_slice %arg2[%add3A, %dma_start3A, %dma_start3A_7] : memref<32x80x128xi32, #tpu.memory_space<hbm>> -> memref<1x80x128xi32, #tpu.memory_space<hbm>>
      %dma_start3A_9 = tpu.memref_squeeze %dma_start3A_8 : memref<1x80x128xi32, #tpu.memory_space<hbm>> -> memref<80x128xi32, #tpu.memory_space<hbm>>
      %dma_start3A_10 = arith.constant 0 : i32
      %dma_start3A_11 = arith.constant 0 : i32
      %dma_start3A_12 = tpu.memref_slice %arg2[%add3A, %dma_start3A_10, %dma_start3A_11] : memref<32x80x128xi32, #tpu.memory_space<hbm>> -> memref<1x80x128xi32, #tpu.memory_space<hbm>>
      %dma_start3A_13 = tpu.memref_squeeze %dma_start3A_12 : memref<1x80x128xi32, #tpu.memory_space<hbm>> -> memref<80x128xi32, #tpu.memory_space<hbm>>
      tpu.enqueue_dma source(%dma_start3A_13 : memref<80x128xi32, #tpu.memory_space<hbm>>) target(%arg5 : memref<80x128xi32, #tpu.memory_space<vmem>>) target_semaphore(%run_scoped3A : memref<!tpu.dma_semaphore, #tpu.memory_space<semaphore_mem>>)
      %dma_wait3A = arith.constant 0 : i32
      %dma_wait3A_14 = arith.constant 0 : i32
      %dma_wait3A_15 = tpu.memref_slice %arg2[%add3A, %dma_wait3A, %dma_wait3A_14] : memref<32x80x128xi32, #tpu.memory_space<hbm>> -> memref<1x80x128xi32, #tpu.memory_space<hbm>>
      %dma_wait3A_16 = tpu.memref_squeeze %dma_wait3A_15 : memref<1x80x128xi32, #tpu.memory_space<hbm>> -> memref<80x128xi32, #tpu.memory_space<hbm>>
      %dma_wait3A_17 = arith.constant 0 : i32
      %dma_wait3A_18 = arith.constant 0 : i32
      %dma_wait3A_19 = tpu.memref_slice %arg2[%add3A, %dma_wait3A_17, %dma_wait3A_18] : memref<32x80x128xi32, #tpu.memory_space<hbm>> -> memref<1x80x128xi32, #tpu.memory_space<hbm>>
      %dma_wait3A_20 = tpu.memref_squeeze %dma_wait3A_19 : memref<1x80x128xi32, #tpu.memory_space<hbm>> -> memref<80x128xi32, #tpu.memory_space<hbm>>
      tpu.wait_dma2 semaphore(%run_scoped3A : memref<!tpu.dma_semaphore, #tpu.memory_space<semaphore_mem>>) src(%dma_wait3A_20 : memref<80x128xi32, #tpu.memory_space<hbm>>) dst(%arg5 : memref<80x128xi32, #tpu.memory_space<vmem>>)
      tpu.yield
    }) : () -> ()
    "tpu.region"() ({
      %run_scoped3A = tpu.sem_alloc : memref<!tpu.dma_semaphore, #tpu.memory_space<semaphore_mem>>
      tpu.enqueue_dma source(%arg3 : memref<10240xf32, #tpu.memory_space<hbm>>) target(%arg6 : memref<10240xf32, #tpu.memory_space<vmem>>) target_semaphore(%run_scoped3A : memref<!tpu.dma_semaphore, #tpu.memory_space<semaphore_mem>>)
      tpu.wait_dma2 semaphore(%run_scoped3A : memref<!tpu.dma_semaphore, #tpu.memory_space<semaphore_mem>>) src(%arg3 : memref<10240xf32, #tpu.memory_space<hbm>>) dst(%arg6 : memref<10240xf32, #tpu.memory_space<vmem>>)
      tpu.yield
    }) : () -> ()
    %broadcast_in_dim3A = arith.constant 1.000000e+00 : f32
    %broadcast_in_dim3A_1 = vector.broadcast %broadcast_in_dim3A : f32 to vector<16xf32>
    %scan3A = arith.constant 0 : i32
    %scan3A_2 = arith.constant 0 : i32
    %scan3A_3 = arith.constant 80 : i32
    %scan3A_4 = arith.addi %scan3A_2, %scan3A_3 : i32
    %scan3A_5 = arith.constant 1 : i32
    scf.for %scan3A_7 = %scan3A_2 to %scan3A_4 step %scan3A_5  : i32 {
      %scan3A_8 = arith.constant 0 : i32
      %scan3A_9 = arith.constant 8 : i32
      %scan3A_10 = arith.addi %scan3A_8, %scan3A_9 : i32
      %scan3A_11 = arith.constant 1 : i32
      scf.for %scan3A_13 = %scan3A_8 to %scan3A_10 step %scan3A_11  : i32 {
        %mul3A_14 = arith.constant 16 : i32
        %mul3A_15 = arith.muli %scan3A_13, %mul3A_14 : i32
        %get3A = arith.index_cast %scan3A_7 : i32 to index
        %get3A_16 = arith.index_cast %mul3A_15 : i32 to index
        %get3A_17 = tpu.vector_load %arg5[%get3A, %get3A_16] {strides = array<i32>} : memref<80x128xi32, #tpu.memory_space<vmem>>, vector<16xi32>,
        tpu.vector_store_idx %arg6[%get3A_17], %broadcast_in_dim3A_1 {add = true} : memref<10240xf32, #tpu.memory_space<vmem>>[vector<16xi32>], vector<16xf32>,
      }
      %scan3A_12 = arith.constant 8 : i32
    }
    %scan3A_6 = arith.constant 80 : i32
    "tpu.region"() ({
      %run_scoped3A = tpu.sem_alloc : memref<!tpu.dma_semaphore, #tpu.memory_space<semaphore_mem>>
      %dma_start3A = arith.constant 0 : i32
      %dma_start3A_7 = tpu.memref_slice %arg4[%add3A, %dma_start3A] : memref<32x10240xf32, #tpu.memory_space<hbm>> -> memref<1x10240xf32, #tpu.memory_space<hbm>>
      %dma_start3A_8 = tpu.memref_squeeze %dma_start3A_7 : memref<1x10240xf32, #tpu.memory_space<hbm>> -> memref<10240xf32, #tpu.memory_space<hbm>>
      %dma_start3A_9 = arith.constant 0 : i32
      %dma_start3A_10 = tpu.memref_slice %arg4[%add3A, %dma_start3A_9] : memref<32x10240xf32, #tpu.memory_space<hbm>> -> memref<1x10240xf32, #tpu.memory_space<hbm>>
      %dma_start3A_11 = tpu.memref_squeeze %dma_start3A_10 : memref<1x10240xf32, #tpu.memory_space<hbm>> -> memref<10240xf32, #tpu.memory_space<hbm>>
      tpu.enqueue_dma source(%arg6 : memref<10240xf32, #tpu.memory_space<vmem>>) target(%dma_start3A_11 : memref<10240xf32, #tpu.memory_space<hbm>>) target_semaphore(%run_scoped3A : memref<!tpu.dma_semaphore, #tpu.memory_space<semaphore_mem>>)
      %dma_wait3A = arith.constant 0 : i32
      %dma_wait3A_12 = tpu.memref_slice %arg4[%add3A, %dma_wait3A] : memref<32x10240xf32, #tpu.memory_space<hbm>> -> memref<1x10240xf32, #tpu.memory_space<hbm>>
      %dma_wait3A_13 = tpu.memref_squeeze %dma_wait3A_12 : memref<1x10240xf32, #tpu.memory_space<hbm>> -> memref<10240xf32, #tpu.memory_space<hbm>>
      %dma_wait3A_14 = arith.constant 0 : i32
      %dma_wait3A_15 = tpu.memref_slice %arg4[%add3A, %dma_wait3A_14] : memref<32x10240xf32, #tpu.memory_space<hbm>> -> memref<1x10240xf32, #tpu.memory_space<hbm>>
      %dma_wait3A_16 = tpu.memref_squeeze %dma_wait3A_15 : memref<1x10240xf32, #tpu.memory_space<hbm>> -> memref<10240xf32, #tpu.memory_space<hbm>>
      tpu.wait_dma2 semaphore(%run_scoped3A : memref<!tpu.dma_semaphore, #tpu.memory_space<semaphore_mem>>) src(%arg6 : memref<10240xf32, #tpu.memory_space<vmem>>) dst(%dma_wait3A_16 : memref<10240xf32, #tpu.memory_space<hbm>>)
      tpu.yield
    }) : () -> ()
    return
  }
}

#map = affine_map<(d0, d1) -> (0, 0, 0)>
#map1 = affine_map<(d0, d1) -> (0, 0)>
module attributes {stable_mosaic.version = 14 : i64} {
  func.func @_agg_body(%arg0: i32, %arg1: i32, %arg2: memref<2560x2x128xi32, #tpu.memory_space<hbm>>, %arg3: memref<16x28x128xi32, #tpu.memory_space<hbm>>, %arg4: memref<16x28x128xi32, #tpu.memory_space<hbm>>, %arg5: memref<10000x128xf32, #tpu.memory_space<hbm>>, %arg6: memref<128x128xf32, #tpu.memory_space<hbm>>, %arg7: memref<2x10240x128xf32, #tpu.memory_space<hbm>>, %arg8: memref<2x128xi32, #tpu.memory_space<vmem>>, %arg9: memref<2x128xi32, #tpu.memory_space<vmem>>, %arg10: memref<28x128xi32, #tpu.memory_space<vmem>>, %arg11: memref<28x128xi32, #tpu.memory_space<vmem>>, %arg12: memref<2x128x128xf32, #tpu.memory_space<vmem>>, %arg13: memref<10240x128xf32, #tpu.memory_space<vmem_shared>>, %arg14: memref<!tpu.dma_semaphore, #tpu.memory_space<semaphore_mem>>, %arg15: memref<!tpu.dma_semaphore, #tpu.memory_space<semaphore_mem>>, %arg16: memref<!tpu.dma_semaphore, #tpu.memory_space<semaphore_mem>>, %arg17: memref<!tpu.dma_semaphore, #tpu.memory_space<semaphore_mem>>) attributes {dimension_semantics = [#tpu.dimension_semantics<core_parallel>, #tpu.dimension_semantics<subcore_parallel>], iteration_bounds = array<i64: 2, 16>, scalar_prefetch = 0 : i64, scratch_operands = 10 : i64, tpu.core_type = #tpu.core_type<sc_vector_subcore>, window_params = [{transform_indices = #map}, {transform_indices = #map}, {transform_indices = #map}, {transform_indices = #map1}, {transform_indices = #map1}, {transform_indices = #map}]} {
    %mul3A = arith.constant 2112 : i32
    %mul3A_0 = arith.muli %arg0, %mul3A : i32
    %mul3A_1 = arith.constant -104 : i32
    %mul3A_2 = arith.muli %arg0, %mul3A_1 : i32
    %add3A = arith.constant 132 : i32
    %add3A_3 = arith.addi %add3A, %mul3A_2 : i32
    %mul3A_4 = arith.muli %arg1, %add3A_3 : i32
    %add3A_5 = arith.addi %mul3A_0, %mul3A_4 : i32
    %scan3A = arith.constant 0 : i32
    %scan3A_6 = arith.constant 0 : i32
    %scan3A_7 = arith.constant 5 : i32
    %scan3A_8 = arith.addi %scan3A_6, %scan3A_7 : i32
    %scan3A_9 = arith.constant 1 : i32
    scf.for %scan3A_26 = %scan3A_6 to %scan3A_8 step %scan3A_9  : i32 {
      %mul3A_27 = arith.constant 640 : i32
      %mul3A_28 = arith.muli %arg1, %mul3A_27 : i32
      %mul3A_29 = arith.constant 128 : i32
      %mul3A_30 = arith.muli %scan3A_26, %mul3A_29 : i32
      %add3A_31 = arith.addi %mul3A_28, %mul3A_30 : i32
      "tpu.region"() ({
        %run_scoped3A = tpu.sem_alloc : memref<!tpu.dma_semaphore, #tpu.memory_space<semaphore_mem>>
        %dma_start3A = arith.constant 0 : i32
        %dma_start3A_32 = tpu.memref_slice %arg13[%add3A_31, %dma_start3A] : memref<10240x128xf32, #tpu.memory_space<vmem_shared>> -> memref<128x128xf32, #tpu.memory_space<vmem_shared>>
        tpu.enqueue_dma source(%arg6 : memref<128x128xf32, #tpu.memory_space<hbm>>) target(%dma_start3A_32 : memref<128x128xf32, #tpu.memory_space<vmem_shared>>) target_semaphore(%run_scoped3A : memref<!tpu.dma_semaphore, #tpu.memory_space<semaphore_mem>>)
        %dma_wait3A = arith.constant 0 : i32
        %dma_wait3A_33 = tpu.memref_slice %arg13[%add3A_31, %dma_wait3A] : memref<10240x128xf32, #tpu.memory_space<vmem_shared>> -> memref<128x128xf32, #tpu.memory_space<vmem_shared>>
        tpu.wait_dma2 semaphore(%run_scoped3A : memref<!tpu.dma_semaphore, #tpu.memory_space<semaphore_mem>>) src(%arg6 : memref<128x128xf32, #tpu.memory_space<hbm>>) dst(%dma_wait3A_33 : memref<128x128xf32, #tpu.memory_space<vmem_shared>>)
        tpu.yield
      }) : () -> ()
    }
    %scan3A_10 = arith.constant 5 : i32
    %barrier3A = arith.constant 0 : index
    tpu.barrier barrier_id(%barrier3A)
    %eq3A = arith.constant 0 : i32
    %eq3A_11 = arith.cmpi eq, %arg0, %eq3A : i32
    %convert_element_type3A = arith.extui %eq3A_11 : i1 to i32
    %cond3A = arith.constant 0 : i32
    %cond3A_12 = arith.constant 1 : i32
    %cond3A_13 = arith.constant 0 : i32
    %cond3A_14 = arith.cmpi ne, %convert_element_type3A, %cond3A_13 : i32
    scf.if %cond3A_14 {
      %add3A_26 = arith.constant 0 : i32
      %add3A_27 = arith.addi %add3A_5, %add3A_26 : i32
      %dma_start3A = arith.constant 0 : i32
      %dma_start3A_28 = arith.constant 0 : i32
      %dma_start3A_29 = tpu.memref_slice %arg2[%add3A_27, %dma_start3A, %dma_start3A_28] : memref<2560x2x128xi32, #tpu.memory_space<hbm>> -> memref<1x2x128xi32, #tpu.memory_space<hbm>>
      %dma_start3A_30 = tpu.memref_squeeze %dma_start3A_29 : memref<1x2x128xi32, #tpu.memory_space<hbm>> -> memref<2x128xi32, #tpu.memory_space<hbm>>
      %dma_start3A_31 = arith.constant 0 : i32
      %dma_start3A_32 = arith.constant 0 : i32
      %dma_start3A_33 = tpu.memref_slice %arg2[%add3A_27, %dma_start3A_31, %dma_start3A_32] : memref<2560x2x128xi32, #tpu.memory_space<hbm>> -> memref<1x2x128xi32, #tpu.memory_space<hbm>>
      %dma_start3A_34 = tpu.memref_squeeze %dma_start3A_33 : memref<1x2x128xi32, #tpu.memory_space<hbm>> -> memref<2x128xi32, #tpu.memory_space<hbm>>
      tpu.enqueue_dma source(%dma_start3A_34 : memref<2x128xi32, #tpu.memory_space<hbm>>) target(%arg8 : memref<2x128xi32, #tpu.memory_space<vmem>>) target_semaphore(%arg14 : memref<!tpu.dma_semaphore, #tpu.memory_space<semaphore_mem>>)
      %dma_wait3A = arith.constant 0 : i32
      %dma_wait3A_35 = arith.constant 0 : i32
      %dma_wait3A_36 = arith.constant 0 : i32
      %dma_wait3A_37 = tpu.memref_slice %arg2[%dma_wait3A, %dma_wait3A_35, %dma_wait3A_36] : memref<2560x2x128xi32, #tpu.memory_space<hbm>> -> memref<1x2x128xi32, #tpu.memory_space<hbm>>
      %dma_wait3A_38 = tpu.memref_squeeze %dma_wait3A_37 : memref<1x2x128xi32, #tpu.memory_space<hbm>> -> memref<2x128xi32, #tpu.memory_space<hbm>>
      %dma_wait3A_39 = arith.constant 0 : i32
      %dma_wait3A_40 = arith.constant 0 : i32
      %dma_wait3A_41 = tpu.memref_slice %arg2[%dma_wait3A, %dma_wait3A_39, %dma_wait3A_40] : memref<2560x2x128xi32, #tpu.memory_space<hbm>> -> memref<1x2x128xi32, #tpu.memory_space<hbm>>
      %dma_wait3A_42 = tpu.memref_squeeze %dma_wait3A_41 : memref<1x2x128xi32, #tpu.memory_space<hbm>> -> memref<2x128xi32, #tpu.memory_space<hbm>>
      tpu.wait_dma2 semaphore(%arg14 : memref<!tpu.dma_semaphore, #tpu.memory_space<semaphore_mem>>) src(%dma_wait3A_42 : memref<2x128xi32, #tpu.memory_space<hbm>>) dst(%arg8 : memref<2x128xi32, #tpu.memory_space<vmem>>)
      %dma_start3A_43 = arith.constant 0 : i32
      %dma_start3A_44 = arith.constant 0 : i32
      %dma_start3A_45 = arith.constant 0 : i32
      %dma_start3A_46 = tpu.memref_slice %arg12[%cond3A, %dma_start3A_44, %dma_start3A_45] : memref<2x128x128xf32, #tpu.memory_space<vmem>> -> memref<1x128x128xf32, #tpu.memory_space<vmem>>
      %dma_start3A_47 = tpu.memref_squeeze %dma_start3A_46 : memref<1x128x128xf32, #tpu.memory_space<vmem>> -> memref<128x128xf32, #tpu.memory_space<vmem>>
      %dma_start3A_48 = arith.constant 0 : i32
      %dma_start3A_49 = tpu.memref_slice %arg8[%dma_start3A_43, %dma_start3A_48] : memref<2x128xi32, #tpu.memory_space<vmem>> -> memref<1x128xi32, #tpu.memory_space<vmem>>
      %dma_start3A_50 = tpu.memref_squeeze %dma_start3A_49 : memref<1x128xi32, #tpu.memory_space<vmem>> -> memref<128xi32, #tpu.memory_space<vmem>>
      %dma_start3A_51 = arith.constant 0 : i32
      %dma_start3A_52 = arith.constant 0 : i32
      %dma_start3A_53 = tpu.memref_slice %arg5[%dma_start3A_51, %dma_start3A_52] : memref<10000x128xf32, #tpu.memory_space<hbm>> -> memref<10000x128xf32, #tpu.memory_space<hbm>>
      tpu.enqueue_indirect_dma source(%dma_start3A_53 : memref<10000x128xf32, #tpu.memory_space<hbm>>) target(%dma_start3A_47 : memref<128x128xf32, #tpu.memory_space<vmem>>) offsets(%dma_start3A_50 : memref<128xi32, #tpu.memory_space<vmem>>) semaphore(%arg16 : memref<!tpu.dma_semaphore, #tpu.memory_space<semaphore_mem>>)
      %add3A_54 = arith.constant 1 : i32
      %add3A_55 = arith.addi %add3A_5, %add3A_54 : i32
      %dma_start3A_56 = arith.constant 0 : i32
      %dma_start3A_57 = arith.constant 0 : i32
      %dma_start3A_58 = tpu.memref_slice %arg2[%add3A_55, %dma_start3A_56, %dma_start3A_57] : memref<2560x2x128xi32, #tpu.memory_space<hbm>> -> memref<1x2x128xi32, #tpu.memory_space<hbm>>
      %dma_start3A_59 = tpu.memref_squeeze %dma_start3A_58 : memref<1x2x128xi32, #tpu.memory_space<hbm>> -> memref<2x128xi32, #tpu.memory_space<hbm>>
      %dma_start3A_60 = arith.constant 0 : i32
      %dma_start3A_61 = arith.constant 0 : i32
      %dma_start3A_62 = tpu.memref_slice %arg2[%add3A_55, %dma_start3A_60, %dma_start3A_61] : memref<2560x2x128xi32, #tpu.memory_space<hbm>> -> memref<1x2x128xi32, #tpu.memory_space<hbm>>
      %dma_start3A_63 = tpu.memref_squeeze %dma_start3A_62 : memref<1x2x128xi32, #tpu.memory_space<hbm>> -> memref<2x128xi32, #tpu.memory_space<hbm>>
      tpu.enqueue_dma source(%dma_start3A_63 : memref<2x128xi32, #tpu.memory_space<hbm>>) target(%arg9 : memref<2x128xi32, #tpu.memory_space<vmem>>) target_semaphore(%arg15 : memref<!tpu.dma_semaphore, #tpu.memory_space<semaphore_mem>>)
      %scan3A_64 = arith.constant 0 : i32
      %scan3A_65 = arith.constant 0 : i32
      %scan3A_66 = arith.constant 65 : i32
      %scan3A_67 = arith.addi %scan3A_65, %scan3A_66 : i32
      %scan3A_68 = arith.constant 1 : i32
      scf.for %scan3A_113 = %scan3A_65 to %scan3A_67 step %scan3A_68  : i32 {
        %mul3A_114 = arith.constant 2 : i32
        %mul3A_115 = arith.muli %mul3A_114, %scan3A_113 : i32
        %dma_wait3A_116 = arith.constant 0 : i32
        %dma_wait3A_117 = arith.constant 0 : i32
        %dma_wait3A_118 = arith.constant 0 : i32
        %dma_wait3A_119 = tpu.memref_slice %arg12[%cond3A, %dma_wait3A_117, %dma_wait3A_118] : memref<2x128x128xf32, #tpu.memory_space<vmem>> -> memref<1x128x128xf32, #tpu.memory_space<vmem>>
        %dma_wait3A_120 = tpu.memref_squeeze %dma_wait3A_119 : memref<1x128x128xf32, #tpu.memory_space<vmem>> -> memref<128x128xf32, #tpu.memory_space<vmem>>
        %dma_wait3A_121 = arith.constant 0 : i32
        %dma_wait3A_122 = tpu.memref_slice %arg8[%dma_wait3A_116, %dma_wait3A_121] : memref<2x128xi32, #tpu.memory_space<vmem>> -> memref<1x128xi32, #tpu.memory_space<vmem>>
        %dma_wait3A_123 = tpu.memref_squeeze %dma_wait3A_122 : memref<1x128xi32, #tpu.memory_space<vmem>> -> memref<128xi32, #tpu.memory_space<vmem>>
        %dma_wait3A_124 = arith.constant 0 : i32
        %dma_wait3A_125 = arith.constant 0 : i32
        %dma_wait3A_126 = tpu.memref_slice %arg5[%dma_wait3A_124, %dma_wait3A_125] : memref<10000x128xf32, #tpu.memory_space<hbm>> -> memref<10000x128xf32, #tpu.memory_space<hbm>>
        tpu.wait_indirect_dma semaphore(%arg16 : memref<!tpu.dma_semaphore, #tpu.memory_space<semaphore_mem>>) src(%dma_wait3A_126 : memref<10000x128xf32, #tpu.memory_space<hbm>>) dst(%dma_wait3A_120 : memref<128x128xf32, #tpu.memory_space<vmem>>)
        %dma_wait3A_127 = arith.constant 0 : i32
        %dma_wait3A_128 = arith.constant 0 : i32
        %dma_wait3A_129 = arith.constant 0 : i32
        %dma_wait3A_130 = tpu.memref_slice %arg2[%dma_wait3A_127, %dma_wait3A_128, %dma_wait3A_129] : memref<2560x2x128xi32, #tpu.memory_space<hbm>> -> memref<1x2x128xi32, #tpu.memory_space<hbm>>
        %dma_wait3A_131 = tpu.memref_squeeze %dma_wait3A_130 : memref<1x2x128xi32, #tpu.memory_space<hbm>> -> memref<2x128xi32, #tpu.memory_space<hbm>>
        %dma_wait3A_132 = arith.constant 0 : i32
        %dma_wait3A_133 = arith.constant 0 : i32
        %dma_wait3A_134 = tpu.memref_slice %arg2[%dma_wait3A_127, %dma_wait3A_132, %dma_wait3A_133] : memref<2560x2x128xi32, #tpu.memory_space<hbm>> -> memref<1x2x128xi32, #tpu.memory_space<hbm>>
        %dma_wait3A_135 = tpu.memref_squeeze %dma_wait3A_134 : memref<1x2x128xi32, #tpu.memory_space<hbm>> -> memref<2x128xi32, #tpu.memory_space<hbm>>
        tpu.wait_dma2 semaphore(%arg15 : memref<!tpu.dma_semaphore, #tpu.memory_space<semaphore_mem>>) src(%dma_wait3A_135 : memref<2x128xi32, #tpu.memory_space<hbm>>) dst(%arg9 : memref<2x128xi32, #tpu.memory_space<vmem>>)
        %dma_start3A_136 = arith.constant 0 : i32
        %dma_start3A_137 = arith.constant 0 : i32
        %dma_start3A_138 = arith.constant 0 : i32
        %dma_start3A_139 = tpu.memref_slice %arg12[%cond3A_12, %dma_start3A_137, %dma_start3A_138] : memref<2x128x128xf32, #tpu.memory_space<vmem>> -> memref<1x128x128xf32, #tpu.memory_space<vmem>>
        %dma_start3A_140 = tpu.memref_squeeze %dma_start3A_139 : memref<1x128x128xf32, #tpu.memory_space<vmem>> -> memref<128x128xf32, #tpu.memory_space<vmem>>
        %dma_start3A_141 = arith.constant 0 : i32
        %dma_start3A_142 = tpu.memref_slice %arg9[%dma_start3A_136, %dma_start3A_141] : memref<2x128xi32, #tpu.memory_space<vmem>> -> memref<1x128xi32, #tpu.memory_space<vmem>>
        %dma_start3A_143 = tpu.memref_squeeze %dma_start3A_142 : memref<1x128xi32, #tpu.memory_space<vmem>> -> memref<128xi32, #tpu.memory_space<vmem>>
        %dma_start3A_144 = arith.constant 0 : i32
        %dma_start3A_145 = arith.constant 0 : i32
        %dma_start3A_146 = tpu.memref_slice %arg5[%dma_start3A_144, %dma_start3A_145] : memref<10000x128xf32, #tpu.memory_space<hbm>> -> memref<10000x128xf32, #tpu.memory_space<hbm>>
        tpu.enqueue_indirect_dma source(%dma_start3A_146 : memref<10000x128xf32, #tpu.memory_space<hbm>>) target(%dma_start3A_140 : memref<128x128xf32, #tpu.memory_space<vmem>>) offsets(%dma_start3A_143 : memref<128xi32, #tpu.memory_space<vmem>>) semaphore(%arg17 : memref<!tpu.dma_semaphore, #tpu.memory_space<semaphore_mem>>)
        %run_scoped3A_147 = arith.constant 1 : i32
        "tpu.region"() ({
          %run_scoped3A_202 = tpu.sem_alloc : memref<!tpu.dma_semaphore, #tpu.memory_space<semaphore_mem>>
          %dma_start3A_203 = arith.constant 0 : i32
          %dma_start3A_204 = arith.constant 0 : i32
          %dma_start3A_205 = tpu.memref_slice %arg12[%cond3A, %dma_start3A_203, %dma_start3A_204] : memref<2x128x128xf32, #tpu.memory_space<vmem>> -> memref<1x128x128xf32, #tpu.memory_space<vmem>>
          %dma_start3A_206 = tpu.memref_squeeze %dma_start3A_205 : memref<1x128x128xf32, #tpu.memory_space<vmem>> -> memref<128x128xf32, #tpu.memory_space<vmem>>
          %dma_start3A_207 = arith.constant 0 : i32
          %dma_start3A_208 = tpu.memref_slice %arg8[%run_scoped3A_147, %dma_start3A_207] : memref<2x128xi32, #tpu.memory_space<vmem>> -> memref<1x128xi32, #tpu.memory_space<vmem>>
          %dma_start3A_209 = tpu.memref_squeeze %dma_start3A_208 : memref<1x128xi32, #tpu.memory_space<vmem>> -> memref<128xi32, #tpu.memory_space<vmem>>
          %dma_start3A_210 = arith.constant 0 : i32
          %dma_start3A_211 = arith.constant 0 : i32
          %dma_start3A_212 = tpu.memref_slice %arg13[%dma_start3A_210, %dma_start3A_211] : memref<10240x128xf32, #tpu.memory_space<vmem_shared>> -> memref<10240x128xf32, #tpu.memory_space<vmem_shared>>
          tpu.enqueue_indirect_dma source(%dma_start3A_206 : memref<128x128xf32, #tpu.memory_space<vmem>>) target(%dma_start3A_212 : memref<10240x128xf32, #tpu.memory_space<vmem_shared>>) offsets(%dma_start3A_209 : memref<128xi32, #tpu.memory_space<vmem>>) semaphore(%run_scoped3A_202 : memref<!tpu.dma_semaphore, #tpu.memory_space<semaphore_mem>>) {add = true}
          %dma_wait3A_213 = arith.constant 0 : i32
          %dma_wait3A_214 = arith.constant 0 : i32
          %dma_wait3A_215 = tpu.memref_slice %arg12[%cond3A, %dma_wait3A_213, %dma_wait3A_214] : memref<2x128x128xf32, #tpu.memory_space<vmem>> -> memref<1x128x128xf32, #tpu.memory_space<vmem>>
          %dma_wait3A_216 = tpu.memref_squeeze %dma_wait3A_215 : memref<1x128x128xf32, #tpu.memory_space<vmem>> -> memref<128x128xf32, #tpu.memory_space<vmem>>
          %dma_wait3A_217 = arith.constant 0 : i32
          %dma_wait3A_218 = tpu.memref_slice %arg8[%run_scoped3A_147, %dma_wait3A_217] : memref<2x128xi32, #tpu.memory_space<vmem>> -> memref<1x128xi32, #tpu.memory_space<vmem>>
          %dma_wait3A_219 = tpu.memref_squeeze %dma_wait3A_218 : memref<1x128xi32, #tpu.memory_space<vmem>> -> memref<128xi32, #tpu.memory_space<vmem>>
          %dma_wait3A_220 = arith.constant 0 : i32
          %dma_wait3A_221 = arith.constant 0 : i32
          %dma_wait3A_222 = tpu.memref_slice %arg13[%dma_wait3A_220, %dma_wait3A_221] : memref<10240x128xf32, #tpu.memory_space<vmem_shared>> -> memref<10240x128xf32, #tpu.memory_space<vmem_shared>>
          tpu.wait_indirect_dma semaphore(%run_scoped3A_202 : memref<!tpu.dma_semaphore, #tpu.memory_space<semaphore_mem>>) src(%dma_wait3A_216 : memref<128x128xf32, #tpu.memory_space<vmem>>) dst(%dma_wait3A_222 : memref<10240x128xf32, #tpu.memory_space<vmem_shared>>)
          tpu.yield
        }) : () -> ()
        %add3A_148 = arith.constant 2 : i32
        %add3A_149 = arith.addi %mul3A_115, %add3A_148 : i32
        %add3A_150 = arith.addi %add3A_5, %add3A_149 : i32
        %dma_start3A_151 = arith.constant 0 : i32
        %dma_start3A_152 = arith.constant 0 : i32
        %dma_start3A_153 = tpu.memref_slice %arg2[%add3A_150, %dma_start3A_151, %dma_start3A_152] : memref<2560x2x128xi32, #tpu.memory_space<hbm>> -> memref<1x2x128xi32, #tpu.memory_space<hbm>>
        %dma_start3A_154 = tpu.memref_squeeze %dma_start3A_153 : memref<1x2x128xi32, #tpu.memory_space<hbm>> -> memref<2x128xi32, #tpu.memory_space<hbm>>
        %dma_start3A_155 = arith.constant 0 : i32
        %dma_start3A_156 = arith.constant 0 : i32
        %dma_start3A_157 = tpu.memref_slice %arg2[%add3A_150, %dma_start3A_155, %dma_start3A_156] : memref<2560x2x128xi32, #tpu.memory_space<hbm>> -> memref<1x2x128xi32, #tpu.memory_space<hbm>>
        %dma_start3A_158 = tpu.memref_squeeze %dma_start3A_157 : memref<1x2x128xi32, #tpu.memory_space<hbm>> -> memref<2x128xi32, #tpu.memory_space<hbm>>
        tpu.enqueue_dma source(%dma_start3A_158 : memref<2x128xi32, #tpu.memory_space<hbm>>) target(%arg8 : memref<2x128xi32, #tpu.memory_space<vmem>>) target_semaphore(%arg14 : memref<!tpu.dma_semaphore, #tpu.memory_space<semaphore_mem>>)
        %dma_wait3A_159 = arith.constant 0 : i32
        %dma_wait3A_160 = arith.constant 0 : i32
        %dma_wait3A_161 = arith.constant 0 : i32
        %dma_wait3A_162 = tpu.memref_slice %arg12[%cond3A_12, %dma_wait3A_160, %dma_wait3A_161] : memref<2x128x128xf32, #tpu.memory_space<vmem>> -> memref<1x128x128xf32, #tpu.memory_space<vmem>>
        %dma_wait3A_163 = tpu.memref_squeeze %dma_wait3A_162 : memref<1x128x128xf32, #tpu.memory_space<vmem>> -> memref<128x128xf32, #tpu.memory_space<vmem>>
        %dma_wait3A_164 = arith.constant 0 : i32
        %dma_wait3A_165 = tpu.memref_slice %arg8[%dma_wait3A_159, %dma_wait3A_164] : memref<2x128xi32, #tpu.memory_space<vmem>> -> memref<1x128xi32, #tpu.memory_space<vmem>>
        %dma_wait3A_166 = tpu.memref_squeeze %dma_wait3A_165 : memref<1x128xi32, #tpu.memory_space<vmem>> -> memref<128xi32, #tpu.memory_space<vmem>>
        %dma_wait3A_167 = arith.constant 0 : i32
        %dma_wait3A_168 = arith.constant 0 : i32
        %dma_wait3A_169 = tpu.memref_slice %arg5[%dma_wait3A_167, %dma_wait3A_168] : memref<10000x128xf32, #tpu.memory_space<hbm>> -> memref<10000x128xf32, #tpu.memory_space<hbm>>
        tpu.wait_indirect_dma semaphore(%arg17 : memref<!tpu.dma_semaphore, #tpu.memory_space<semaphore_mem>>) src(%dma_wait3A_169 : memref<10000x128xf32, #tpu.memory_space<hbm>>) dst(%dma_wait3A_163 : memref<128x128xf32, #tpu.memory_space<vmem>>)
        %dma_wait3A_170 = arith.constant 0 : i32
        %dma_wait3A_171 = arith.constant 0 : i32
        %dma_wait3A_172 = arith.constant 0 : i32
        %dma_wait3A_173 = tpu.memref_slice %arg2[%dma_wait3A_170, %dma_wait3A_171, %dma_wait3A_172] : memref<2560x2x128xi32, #tpu.memory_space<hbm>> -> memref<1x2x128xi32, #tpu.memory_space<hbm>>
        %dma_wait3A_174 = tpu.memref_squeeze %dma_wait3A_173 : memref<1x2x128xi32, #tpu.memory_space<hbm>> -> memref<2x128xi32, #tpu.memory_space<hbm>>
        %dma_wait3A_175 = arith.constant 0 : i32
        %dma_wait3A_176 = arith.constant 0 : i32
        %dma_wait3A_177 = tpu.memref_slice %arg2[%dma_wait3A_170, %dma_wait3A_175, %dma_wait3A_176] : memref<2560x2x128xi32, #tpu.memory_space<hbm>> -> memref<1x2x128xi32, #tpu.memory_space<hbm>>
        %dma_wait3A_178 = tpu.memref_squeeze %dma_wait3A_177 : memref<1x2x128xi32, #tpu.memory_space<hbm>> -> memref<2x128xi32, #tpu.memory_space<hbm>>
        tpu.wait_dma2 semaphore(%arg14 : memref<!tpu.dma_semaphore, #tpu.memory_space<semaphore_mem>>) src(%dma_wait3A_178 : memref<2x128xi32, #tpu.memory_space<hbm>>) dst(%arg8 : memref<2x128xi32, #tpu.memory_space<vmem>>)
        %dma_start3A_179 = arith.constant 0 : i32
        %dma_start3A_180 = arith.constant 0 : i32
        %dma_start3A_181 = arith.constant 0 : i32
        %dma_start3A_182 = tpu.memref_slice %arg12[%cond3A, %dma_start3A_180, %dma_start3A_181] : memref<2x128x128xf32, #tpu.memory_space<vmem>> -> memref<1x128x128xf32, #tpu.memory_space<vmem>>
        %dma_start3A_183 = tpu.memref_squeeze %dma_start3A_182 : memref<1x128x128xf32, #tpu.memory_space<vmem>> -> memref<128x128xf32, #tpu.memory_space<vmem>>
        %dma_start3A_184 = arith.constant 0 : i32
        %dma_start3A_185 = tpu.memref_slice %arg8[%dma_start3A_179, %dma_start3A_184] : memref<2x128xi32, #tpu.memory_space<vmem>> -> memref<1x128xi32, #tpu.memory_space<vmem>>
        %dma_start3A_186 = tpu.memref_squeeze %dma_start3A_185 : memref<1x128xi32, #tpu.memory_space<vmem>> -> memref<128xi32, #tpu.memory_space<vmem>>
        %dma_start3A_187 = arith.constant 0 : i32
        %dma_start3A_188 = arith.constant 0 : i32
        %dma_start3A_189 = tpu.memref_slice %arg5[%dma_start3A_187, %dma_start3A_188] : memref<10000x128xf32, #tpu.memory_space<hbm>> -> memref<10000x128xf32, #tpu.memory_space<hbm>>
        tpu.enqueue_indirect_dma source(%dma_start3A_189 : memref<10000x128xf32, #tpu.memory_space<hbm>>) target(%dma_start3A_183 : memref<128x128xf32, #tpu.memory_space<vmem>>) offsets(%dma_start3A_186 : memref<128xi32, #tpu.memory_space<vmem>>) semaphore(%arg16 : memref<!tpu.dma_semaphore, #tpu.memory_space<semaphore_mem>>)
        %run_scoped3A_190 = arith.constant 1 : i32
        "tpu.region"() ({
          %run_scoped3A_202 = tpu.sem_alloc : memref<!tpu.dma_semaphore, #tpu.memory_space<semaphore_mem>>
          %dma_start3A_203 = arith.constant 0 : i32
          %dma_start3A_204 = arith.constant 0 : i32
          %dma_start3A_205 = tpu.memref_slice %arg12[%cond3A_12, %dma_start3A_203, %dma_start3A_204] : memref<2x128x128xf32, #tpu.memory_space<vmem>> -> memref<1x128x128xf32, #tpu.memory_space<vmem>>
          %dma_start3A_206 = tpu.memref_squeeze %dma_start3A_205 : memref<1x128x128xf32, #tpu.memory_space<vmem>> -> memref<128x128xf32, #tpu.memory_space<vmem>>
          %dma_start3A_207 = arith.constant 0 : i32
          %dma_start3A_208 = tpu.memref_slice %arg9[%run_scoped3A_190, %dma_start3A_207] : memref<2x128xi32, #tpu.memory_space<vmem>> -> memref<1x128xi32, #tpu.memory_space<vmem>>
          %dma_start3A_209 = tpu.memref_squeeze %dma_start3A_208 : memref<1x128xi32, #tpu.memory_space<vmem>> -> memref<128xi32, #tpu.memory_space<vmem>>
          %dma_start3A_210 = arith.constant 0 : i32
          %dma_start3A_211 = arith.constant 0 : i32
          %dma_start3A_212 = tpu.memref_slice %arg13[%dma_start3A_210, %dma_start3A_211] : memref<10240x128xf32, #tpu.memory_space<vmem_shared>> -> memref<10240x128xf32, #tpu.memory_space<vmem_shared>>
          tpu.enqueue_indirect_dma source(%dma_start3A_206 : memref<128x128xf32, #tpu.memory_space<vmem>>) target(%dma_start3A_212 : memref<10240x128xf32, #tpu.memory_space<vmem_shared>>) offsets(%dma_start3A_209 : memref<128xi32, #tpu.memory_space<vmem>>) semaphore(%run_scoped3A_202 : memref<!tpu.dma_semaphore, #tpu.memory_space<semaphore_mem>>) {add = true}
          %dma_wait3A_213 = arith.constant 0 : i32
          %dma_wait3A_214 = arith.constant 0 : i32
          %dma_wait3A_215 = tpu.memref_slice %arg12[%cond3A_12, %dma_wait3A_213, %dma_wait3A_214] : memref<2x128x128xf32, #tpu.memory_space<vmem>> -> memref<1x128x128xf32, #tpu.memory_space<vmem>>
          %dma_wait3A_216 = tpu.memref_squeeze %dma_wait3A_215 : memref<1x128x128xf32, #tpu.memory_space<vmem>> -> memref<128x128xf32, #tpu.memory_space<vmem>>
          %dma_wait3A_217 = arith.constant 0 : i32
          %dma_wait3A_218 = tpu.memref_slice %arg9[%run_scoped3A_190, %dma_wait3A_217] : memref<2x128xi32, #tpu.memory_space<vmem>> -> memref<1x128xi32, #tpu.memory_space<vmem>>
          %dma_wait3A_219 = tpu.memref_squeeze %dma_wait3A_218 : memref<1x128xi32, #tpu.memory_space<vmem>> -> memref<128xi32, #tpu.memory_space<vmem>>
          %dma_wait3A_220 = arith.constant 0 : i32
          %dma_wait3A_221 = arith.constant 0 : i32
          %dma_wait3A_222 = tpu.memref_slice %arg13[%dma_wait3A_220, %dma_wait3A_221] : memref<10240x128xf32, #tpu.memory_space<vmem_shared>> -> memref<10240x128xf32, #tpu.memory_space<vmem_shared>>
          tpu.wait_indirect_dma semaphore(%run_scoped3A_202 : memref<!tpu.dma_semaphore, #tpu.memory_space<semaphore_mem>>) src(%dma_wait3A_216 : memref<128x128xf32, #tpu.memory_space<vmem>>) dst(%dma_wait3A_222 : memref<10240x128xf32, #tpu.memory_space<vmem_shared>>)
          tpu.yield
        }) : () -> ()
        %add3A_191 = arith.constant 3 : i32
        %add3A_192 = arith.addi %mul3A_115, %add3A_191 : i32
        %add3A_193 = arith.addi %add3A_5, %add3A_192 : i32
        %dma_start3A_194 = arith.constant 0 : i32
        %dma_start3A_195 = arith.constant 0 : i32
        %dma_start3A_196 = tpu.memref_slice %arg2[%add3A_193, %dma_start3A_194, %dma_start3A_195] : memref<2560x2x128xi32, #tpu.memory_space<hbm>> -> memref<1x2x128xi32, #tpu.memory_space<hbm>>
        %dma_start3A_197 = tpu.memref_squeeze %dma_start3A_196 : memref<1x2x128xi32, #tpu.memory_space<hbm>> -> memref<2x128xi32, #tpu.memory_space<hbm>>
        %dma_start3A_198 = arith.constant 0 : i32
        %dma_start3A_199 = arith.constant 0 : i32
        %dma_start3A_200 = tpu.memref_slice %arg2[%add3A_193, %dma_start3A_198, %dma_start3A_199] : memref<2560x2x128xi32, #tpu.memory_space<hbm>> -> memref<1x2x128xi32, #tpu.memory_space<hbm>>
        %dma_start3A_201 = tpu.memref_squeeze %dma_start3A_200 : memref<1x2x128xi32, #tpu.memory_space<hbm>> -> memref<2x128xi32, #tpu.memory_space<hbm>>
        tpu.enqueue_dma source(%dma_start3A_201 : memref<2x128xi32, #tpu.memory_space<hbm>>) target(%arg9 : memref<2x128xi32, #tpu.memory_space<vmem>>) target_semaphore(%arg15 : memref<!tpu.dma_semaphore, #tpu.memory_space<semaphore_mem>>)
      }
      %scan3A_69 = arith.constant 65 : i32
      %dma_wait3A_70 = arith.constant 0 : i32
      %dma_wait3A_71 = arith.constant 0 : i32
      %dma_wait3A_72 = arith.constant 0 : i32
      %dma_wait3A_73 = tpu.memref_slice %arg12[%cond3A, %dma_wait3A_71, %dma_wait3A_72] : memref<2x128x128xf32, #tpu.memory_space<vmem>> -> memref<1x128x128xf32, #tpu.memory_space<vmem>>
      %dma_wait3A_74 = tpu.memref_squeeze %dma_wait3A_73 : memref<1x128x128xf32, #tpu.memory_space<vmem>> -> memref<128x128xf32, #tpu.memory_space<vmem>>
      %dma_wait3A_75 = arith.constant 0 : i32
      %dma_wait3A_76 = tpu.memref_slice %arg8[%dma_wait3A_70, %dma_wait3A_75] : memref<2x128xi32, #tpu.memory_space<vmem>> -> memref<1x128xi32, #tpu.memory_space<vmem>>
      %dma_wait3A_77 = tpu.memref_squeeze %dma_wait3A_76 : memref<1x128xi32, #tpu.memory_space<vmem>> -> memref<128xi32, #tpu.memory_space<vmem>>
      %dma_wait3A_78 = arith.constant 0 : i32
      %dma_wait3A_79 = arith.constant 0 : i32
      %dma_wait3A_80 = tpu.memref_slice %arg5[%dma_wait3A_78, %dma_wait3A_79] : memref<10000x128xf32, #tpu.memory_space<hbm>> -> memref<10000x128xf32, #tpu.memory_space<hbm>>
      tpu.wait_indirect_dma semaphore(%arg16 : memref<!tpu.dma_semaphore, #tpu.memory_space<semaphore_mem>>) src(%dma_wait3A_80 : memref<10000x128xf32, #tpu.memory_space<hbm>>) dst(%dma_wait3A_74 : memref<128x128xf32, #tpu.memory_space<vmem>>)
      %dma_wait3A_81 = arith.constant 0 : i32
      %dma_wait3A_82 = arith.constant 0 : i32
      %dma_wait3A_83 = arith.constant 0 : i32
      %dma_wait3A_84 = tpu.memref_slice %arg2[%dma_wait3A_81, %dma_wait3A_82, %dma_wait3A_83] : memref<2560x2x128xi32, #tpu.memory_space<hbm>> -> memref<1x2x128xi32, #tpu.memory_space<hbm>>
      %dma_wait3A_85 = tpu.memref_squeeze %dma_wait3A_84 : memref<1x2x128xi32, #tpu.memory_space<hbm>> -> memref<2x128xi32, #tpu.memory_space<hbm>>
      %dma_wait3A_86 = arith.constant 0 : i32
      %dma_wait3A_87 = arith.constant 0 : i32
      %dma_wait3A_88 = tpu.memref_slice %arg2[%dma_wait3A_81, %dma_wait3A_86, %dma_wait3A_87] : memref<2560x2x128xi32, #tpu.memory_space<hbm>> -> memref<1x2x128xi32, #tpu.memory_space<hbm>>
      %dma_wait3A_89 = tpu.memref_squeeze %dma_wait3A_88 : memref<1x2x128xi32, #tpu.memory_space<hbm>> -> memref<2x128xi32, #tpu.memory_space<hbm>>
      tpu.wait_dma2 semaphore(%arg15 : memref<!tpu.dma_semaphore, #tpu.memory_space<semaphore_mem>>) src(%dma_wait3A_89 : memref<2x128xi32, #tpu.memory_space<hbm>>) dst(%arg9 : memref<2x128xi32, #tpu.memory_space<vmem>>)
      %dma_start3A_90 = arith.constant 0 : i32
      %dma_start3A_91 = arith.constant 0 : i32
      %dma_start3A_92 = arith.constant 0 : i32
      %dma_start3A_93 = tpu.memref_slice %arg12[%cond3A_12, %dma_start3A_91, %dma_start3A_92] : memref<2x128x128xf32, #tpu.memory_space<vmem>> -> memref<1x128x128xf32, #tpu.memory_space<vmem>>
      %dma_start3A_94 = tpu.memref_squeeze %dma_start3A_93 : memref<1x128x128xf32, #tpu.memory_space<vmem>> -> memref<128x128xf32, #tpu.memory_space<vmem>>
      %dma_start3A_95 = arith.constant 0 : i32
      %dma_start3A_96 = tpu.memref_slice %arg9[%dma_start3A_90, %dma_start3A_95] : memref<2x128xi32, #tpu.memory_space<vmem>> -> memref<1x128xi32, #tpu.memory_space<vmem>>
      %dma_start3A_97 = tpu.memref_squeeze %dma_start3A_96 : memref<1x128xi32, #tpu.memory_space<vmem>> -> memref<128xi32, #tpu.memory_space<vmem>>
      %dma_start3A_98 = arith.constant 0 : i32
      %dma_start3A_99 = arith.constant 0 : i32
      %dma_start3A_100 = tpu.memref_slice %arg5[%dma_start3A_98, %dma_start3A_99] : memref<10000x128xf32, #tpu.memory_space<hbm>> -> memref<10000x128xf32, #tpu.memory_space<hbm>>
      tpu.enqueue_indirect_dma source(%dma_start3A_100 : memref<10000x128xf32, #tpu.memory_space<hbm>>) target(%dma_start3A_94 : memref<128x128xf32, #tpu.memory_space<vmem>>) offsets(%dma_start3A_97 : memref<128xi32, #tpu.memory_space<vmem>>) semaphore(%arg17 : memref<!tpu.dma_semaphore, #tpu.memory_space<semaphore_mem>>)
      %run_scoped3A = arith.constant 1 : i32
      "tpu.region"() ({
        %run_scoped3A_113 = tpu.sem_alloc : memref<!tpu.dma_semaphore, #tpu.memory_space<semaphore_mem>>
        %dma_start3A_114 = arith.constant 0 : i32
        %dma_start3A_115 = arith.constant 0 : i32
        %dma_start3A_116 = tpu.memref_slice %arg12[%cond3A, %dma_start3A_114, %dma_start3A_115] : memref<2x128x128xf32, #tpu.memory_space<vmem>> -> memref<1x128x128xf32, #tpu.memory_space<vmem>>
        %dma_start3A_117 = tpu.memref_squeeze %dma_start3A_116 : memref<1x128x128xf32, #tpu.memory_space<vmem>> -> memref<128x128xf32, #tpu.memory_space<vmem>>
        %dma_start3A_118 = arith.constant 0 : i32
        %dma_start3A_119 = tpu.memref_slice %arg8[%run_scoped3A, %dma_start3A_118] : memref<2x128xi32, #tpu.memory_space<vmem>> -> memref<1x128xi32, #tpu.memory_space<vmem>>
        %dma_start3A_120 = tpu.memref_squeeze %dma_start3A_119 : memref<1x128xi32, #tpu.memory_space<vmem>> -> memref<128xi32, #tpu.memory_space<vmem>>
        %dma_start3A_121 = arith.constant 0 : i32
        %dma_start3A_122 = arith.constant 0 : i32
        %dma_start3A_123 = tpu.memref_slice %arg13[%dma_start3A_121, %dma_start3A_122] : memref<10240x128xf32, #tpu.memory_space<vmem_shared>> -> memref<10240x128xf32, #tpu.memory_space<vmem_shared>>
        tpu.enqueue_indirect_dma source(%dma_start3A_117 : memref<128x128xf32, #tpu.memory_space<vmem>>) target(%dma_start3A_123 : memref<10240x128xf32, #tpu.memory_space<vmem_shared>>) offsets(%dma_start3A_120 : memref<128xi32, #tpu.memory_space<vmem>>) semaphore(%run_scoped3A_113 : memref<!tpu.dma_semaphore, #tpu.memory_space<semaphore_mem>>) {add = true}
        %dma_wait3A_124 = arith.constant 0 : i32
        %dma_wait3A_125 = arith.constant 0 : i32
        %dma_wait3A_126 = tpu.memref_slice %arg12[%cond3A, %dma_wait3A_124, %dma_wait3A_125] : memref<2x128x128xf32, #tpu.memory_space<vmem>> -> memref<1x128x128xf32, #tpu.memory_space<vmem>>
        %dma_wait3A_127 = tpu.memref_squeeze %dma_wait3A_126 : memref<1x128x128xf32, #tpu.memory_space<vmem>> -> memref<128x128xf32, #tpu.memory_space<vmem>>
        %dma_wait3A_128 = arith.constant 0 : i32
        %dma_wait3A_129 = tpu.memref_slice %arg8[%run_scoped3A, %dma_wait3A_128] : memref<2x128xi32, #tpu.memory_space<vmem>> -> memref<1x128xi32, #tpu.memory_space<vmem>>
        %dma_wait3A_130 = tpu.memref_squeeze %dma_wait3A_129 : memref<1x128xi32, #tpu.memory_space<vmem>> -> memref<128xi32, #tpu.memory_space<vmem>>
        %dma_wait3A_131 = arith.constant 0 : i32
        %dma_wait3A_132 = arith.constant 0 : i32
        %dma_wait3A_133 = tpu.memref_slice %arg13[%dma_wait3A_131, %dma_wait3A_132] : memref<10240x128xf32, #tpu.memory_space<vmem_shared>> -> memref<10240x128xf32, #tpu.memory_space<vmem_shared>>
        tpu.wait_indirect_dma semaphore(%run_scoped3A_113 : memref<!tpu.dma_semaphore, #tpu.memory_space<semaphore_mem>>) src(%dma_wait3A_127 : memref<128x128xf32, #tpu.memory_space<vmem>>) dst(%dma_wait3A_133 : memref<10240x128xf32, #tpu.memory_space<vmem_shared>>)
        tpu.yield
      }) : () -> ()
      %dma_wait3A_101 = arith.constant 0 : i32
      %dma_wait3A_102 = arith.constant 0 : i32
      %dma_wait3A_103 = arith.constant 0 : i32
      %dma_wait3A_104 = tpu.memref_slice %arg12[%cond3A_12, %dma_wait3A_102, %dma_wait3A_103] : memref<2x128x128xf32, #tpu.memory_space<vmem>> -> memref<1x128x128xf32, #tpu.memory_space<vmem>>
      %dma_wait3A_105 = tpu.memref_squeeze %dma_wait3A_104 : memref<1x128x128xf32, #tpu.memory_space<vmem>> -> memref<128x128xf32, #tpu.memory_space<vmem>>
      %dma_wait3A_106 = arith.constant 0 : i32
      %dma_wait3A_107 = tpu.memref_slice %arg8[%dma_wait3A_101, %dma_wait3A_106] : memref<2x128xi32, #tpu.memory_space<vmem>> -> memref<1x128xi32, #tpu.memory_space<vmem>>
      %dma_wait3A_108 = tpu.memref_squeeze %dma_wait3A_107 : memref<1x128xi32, #tpu.memory_space<vmem>> -> memref<128xi32, #tpu.memory_space<vmem>>
      %dma_wait3A_109 = arith.constant 0 : i32
      %dma_wait3A_110 = arith.constant 0 : i32
      %dma_wait3A_111 = tpu.memref_slice %arg5[%dma_wait3A_109, %dma_wait3A_110] : memref<10000x128xf32, #tpu.memory_space<hbm>> -> memref<10000x128xf32, #tpu.memory_space<hbm>>
      tpu.wait_indirect_dma semaphore(%arg17 : memref<!tpu.dma_semaphore, #tpu.memory_space<semaphore_mem>>) src(%dma_wait3A_111 : memref<10000x128xf32, #tpu.memory_space<hbm>>) dst(%dma_wait3A_105 : memref<128x128xf32, #tpu.memory_space<vmem>>)
      %run_scoped3A_112 = arith.constant 1 : i32
      "tpu.region"() ({
        %run_scoped3A_113 = tpu.sem_alloc : memref<!tpu.dma_semaphore, #tpu.memory_space<semaphore_mem>>
        %dma_start3A_114 = arith.constant 0 : i32
        %dma_start3A_115 = arith.constant 0 : i32
        %dma_start3A_116 = tpu.memref_slice %arg12[%cond3A_12, %dma_start3A_114, %dma_start3A_115] : memref<2x128x128xf32, #tpu.memory_space<vmem>> -> memref<1x128x128xf32, #tpu.memory_space<vmem>>
        %dma_start3A_117 = tpu.memref_squeeze %dma_start3A_116 : memref<1x128x128xf32, #tpu.memory_space<vmem>> -> memref<128x128xf32, #tpu.memory_space<vmem>>
        %dma_start3A_118 = arith.constant 0 : i32
        %dma_start3A_119 = tpu.memref_slice %arg9[%run_scoped3A_112, %dma_start3A_118] : memref<2x128xi32, #tpu.memory_space<vmem>> -> memref<1x128xi32, #tpu.memory_space<vmem>>
        %dma_start3A_120 = tpu.memref_squeeze %dma_start3A_119 : memref<1x128xi32, #tpu.memory_space<vmem>> -> memref<128xi32, #tpu.memory_space<vmem>>
        %dma_start3A_121 = arith.constant 0 : i32
        %dma_start3A_122 = arith.constant 0 : i32
        %dma_start3A_123 = tpu.memref_slice %arg13[%dma_start3A_121, %dma_start3A_122] : memref<10240x128xf32, #tpu.memory_space<vmem_shared>> -> memref<10240x128xf32, #tpu.memory_space<vmem_shared>>
        tpu.enqueue_indirect_dma source(%dma_start3A_117 : memref<128x128xf32, #tpu.memory_space<vmem>>) target(%dma_start3A_123 : memref<10240x128xf32, #tpu.memory_space<vmem_shared>>) offsets(%dma_start3A_120 : memref<128xi32, #tpu.memory_space<vmem>>) semaphore(%run_scoped3A_113 : memref<!tpu.dma_semaphore, #tpu.memory_space<semaphore_mem>>) {add = true}
        %dma_wait3A_124 = arith.constant 0 : i32
        %dma_wait3A_125 = arith.constant 0 : i32
        %dma_wait3A_126 = tpu.memref_slice %arg12[%cond3A_12, %dma_wait3A_124, %dma_wait3A_125] : memref<2x128x128xf32, #tpu.memory_space<vmem>> -> memref<1x128x128xf32, #tpu.memory_space<vmem>>
        %dma_wait3A_127 = tpu.memref_squeeze %dma_wait3A_126 : memref<1x128x128xf32, #tpu.memory_space<vmem>> -> memref<128x128xf32, #tpu.memory_space<vmem>>
        %dma_wait3A_128 = arith.constant 0 : i32
        %dma_wait3A_129 = tpu.memref_slice %arg9[%run_scoped3A_112, %dma_wait3A_128] : memref<2x128xi32, #tpu.memory_space<vmem>> -> memref<1x128xi32, #tpu.memory_space<vmem>>
        %dma_wait3A_130 = tpu.memref_squeeze %dma_wait3A_129 : memref<1x128xi32, #tpu.memory_space<vmem>> -> memref<128xi32, #tpu.memory_space<vmem>>
        %dma_wait3A_131 = arith.constant 0 : i32
        %dma_wait3A_132 = arith.constant 0 : i32
        %dma_wait3A_133 = tpu.memref_slice %arg13[%dma_wait3A_131, %dma_wait3A_132] : memref<10240x128xf32, #tpu.memory_space<vmem_shared>> -> memref<10240x128xf32, #tpu.memory_space<vmem_shared>>
        tpu.wait_indirect_dma semaphore(%run_scoped3A_113 : memref<!tpu.dma_semaphore, #tpu.memory_space<semaphore_mem>>) src(%dma_wait3A_127 : memref<128x128xf32, #tpu.memory_space<vmem>>) dst(%dma_wait3A_133 : memref<10240x128xf32, #tpu.memory_space<vmem_shared>>)
        tpu.yield
      }) : () -> ()
    } else {
    }
    %eq3A_15 = arith.constant 1 : i32
    %eq3A_16 = arith.cmpi eq, %arg0, %eq3A_15 : i32
    %convert_element_type3A_17 = arith.extui %eq3A_16 : i1 to i32
    %cond3A_18 = arith.constant 0 : i32
    %cond3A_19 = arith.constant 0 : i32
    %cond3A_20 = arith.cmpi ne, %convert_element_type3A_17, %cond3A_19 : i32
    scf.if %cond3A_20 {
      %dma_start3A = arith.constant 0 : i32
      %dma_start3A_26 = arith.constant 0 : i32
      %dma_start3A_27 = tpu.memref_slice %arg3[%arg1, %dma_start3A, %dma_start3A_26] : memref<16x28x128xi32, #tpu.memory_space<hbm>> -> memref<1x28x128xi32, #tpu.memory_space<hbm>>
      %dma_start3A_28 = tpu.memref_squeeze %dma_start3A_27 : memref<1x28x128xi32, #tpu.memory_space<hbm>> -> memref<28x128xi32, #tpu.memory_space<hbm>>
      %dma_start3A_29 = arith.constant 0 : i32
      %dma_start3A_30 = arith.constant 0 : i32
      %dma_start3A_31 = tpu.memref_slice %arg3[%arg1, %dma_start3A_29, %dma_start3A_30] : memref<16x28x128xi32, #tpu.memory_space<hbm>> -> memref<1x28x128xi32, #tpu.memory_space<hbm>>
      %dma_start3A_32 = tpu.memref_squeeze %dma_start3A_31 : memref<1x28x128xi32, #tpu.memory_space<hbm>> -> memref<28x128xi32, #tpu.memory_space<hbm>>
      tpu.enqueue_dma source(%dma_start3A_32 : memref<28x128xi32, #tpu.memory_space<hbm>>) target(%arg10 : memref<28x128xi32, #tpu.memory_space<vmem>>) target_semaphore(%arg14 : memref<!tpu.dma_semaphore, #tpu.memory_space<semaphore_mem>>)
      %dma_start3A_33 = arith.constant 0 : i32
      %dma_start3A_34 = arith.constant 0 : i32
      %dma_start3A_35 = tpu.memref_slice %arg4[%arg1, %dma_start3A_33, %dma_start3A_34] : memref<16x28x128xi32, #tpu.memory_space<hbm>> -> memref<1x28x128xi32, #tpu.memory_space<hbm>>
      %dma_start3A_36 = tpu.memref_squeeze %dma_start3A_35 : memref<1x28x128xi32, #tpu.memory_space<hbm>> -> memref<28x128xi32, #tpu.memory_space<hbm>>
      %dma_start3A_37 = arith.constant 0 : i32
      %dma_start3A_38 = arith.constant 0 : i32
      %dma_start3A_39 = tpu.memref_slice %arg4[%arg1, %dma_start3A_37, %dma_start3A_38] : memref<16x28x128xi32, #tpu.memory_space<hbm>> -> memref<1x28x128xi32, #tpu.memory_space<hbm>>
      %dma_start3A_40 = tpu.memref_squeeze %dma_start3A_39 : memref<1x28x128xi32, #tpu.memory_space<hbm>> -> memref<28x128xi32, #tpu.memory_space<hbm>>
      tpu.enqueue_dma source(%dma_start3A_40 : memref<28x128xi32, #tpu.memory_space<hbm>>) target(%arg11 : memref<28x128xi32, #tpu.memory_space<vmem>>) target_semaphore(%arg14 : memref<!tpu.dma_semaphore, #tpu.memory_space<semaphore_mem>>)
      %dma_wait3A = arith.constant 0 : i32
      %dma_wait3A_41 = arith.constant 0 : i32
      %dma_wait3A_42 = arith.constant 0 : i32
      %dma_wait3A_43 = tpu.memref_slice %arg3[%dma_wait3A, %dma_wait3A_41, %dma_wait3A_42] : memref<16x28x128xi32, #tpu.memory_space<hbm>> -> memref<1x28x128xi32, #tpu.memory_space<hbm>>
      %dma_wait3A_44 = tpu.memref_squeeze %dma_wait3A_43 : memref<1x28x128xi32, #tpu.memory_space<hbm>> -> memref<28x128xi32, #tpu.memory_space<hbm>>
      %dma_wait3A_45 = arith.constant 0 : i32
      %dma_wait3A_46 = arith.constant 0 : i32
      %dma_wait3A_47 = tpu.memref_slice %arg3[%dma_wait3A, %dma_wait3A_45, %dma_wait3A_46] : memref<16x28x128xi32, #tpu.memory_space<hbm>> -> memref<1x28x128xi32, #tpu.memory_space<hbm>>
      %dma_wait3A_48 = tpu.memref_squeeze %dma_wait3A_47 : memref<1x28x128xi32, #tpu.memory_space<hbm>> -> memref<28x128xi32, #tpu.memory_space<hbm>>
      tpu.wait_dma2 semaphore(%arg14 : memref<!tpu.dma_semaphore, #tpu.memory_space<semaphore_mem>>) src(%dma_wait3A_48 : memref<28x128xi32, #tpu.memory_space<hbm>>) dst(%arg10 : memref<28x128xi32, #tpu.memory_space<vmem>>)
      %dma_wait3A_49 = arith.constant 0 : i32
      %dma_wait3A_50 = arith.constant 0 : i32
      %dma_wait3A_51 = arith.constant 0 : i32
      %dma_wait3A_52 = tpu.memref_slice %arg4[%dma_wait3A_49, %dma_wait3A_50, %dma_wait3A_51] : memref<16x28x128xi32, #tpu.memory_space<hbm>> -> memref<1x28x128xi32, #tpu.memory_space<hbm>>
      %dma_wait3A_53 = tpu.memref_squeeze %dma_wait3A_52 : memref<1x28x128xi32, #tpu.memory_space<hbm>> -> memref<28x128xi32, #tpu.memory_space<hbm>>
      %dma_wait3A_54 = arith.constant 0 : i32
      %dma_wait3A_55 = arith.constant 0 : i32
      %dma_wait3A_56 = tpu.memref_slice %arg4[%dma_wait3A_49, %dma_wait3A_54, %dma_wait3A_55] : memref<16x28x128xi32, #tpu.memory_space<hbm>> -> memref<1x28x128xi32, #tpu.memory_space<hbm>>
      %dma_wait3A_57 = tpu.memref_squeeze %dma_wait3A_56 : memref<1x28x128xi32, #tpu.memory_space<hbm>> -> memref<28x128xi32, #tpu.memory_space<hbm>>
      tpu.wait_dma2 semaphore(%arg14 : memref<!tpu.dma_semaphore, #tpu.memory_space<semaphore_mem>>) src(%dma_wait3A_57 : memref<28x128xi32, #tpu.memory_space<hbm>>) dst(%arg11 : memref<28x128xi32, #tpu.memory_space<vmem>>)
      %scan3A_58 = arith.constant 0 : i32
      %scan3A_59 = arith.constant 0 : i32
      %scan3A_60 = arith.constant 28 : i32
      %scan3A_61 = arith.addi %scan3A_59, %scan3A_60 : i32
      %scan3A_62 = arith.constant 1 : i32
      scf.for %scan3A_64 = %scan3A_59 to %scan3A_61 step %scan3A_62  : i32 {
        %dma_start3A_65 = arith.constant 0 : i32
        %dma_start3A_66 = arith.constant 0 : i32
        %dma_start3A_67 = tpu.memref_slice %arg12[%cond3A_18, %dma_start3A_65, %dma_start3A_66] : memref<2x128x128xf32, #tpu.memory_space<vmem>> -> memref<1x128x128xf32, #tpu.memory_space<vmem>>
        %dma_start3A_68 = tpu.memref_squeeze %dma_start3A_67 : memref<1x128x128xf32, #tpu.memory_space<vmem>> -> memref<128x128xf32, #tpu.memory_space<vmem>>
        %dma_start3A_69 = arith.constant 0 : i32
        %dma_start3A_70 = tpu.memref_slice %arg10[%scan3A_64, %dma_start3A_69] : memref<28x128xi32, #tpu.memory_space<vmem>> -> memref<1x128xi32, #tpu.memory_space<vmem>>
        %dma_start3A_71 = tpu.memref_squeeze %dma_start3A_70 : memref<1x128xi32, #tpu.memory_space<vmem>> -> memref<128xi32, #tpu.memory_space<vmem>>
        %dma_start3A_72 = arith.constant 0 : i32
        %dma_start3A_73 = arith.constant 0 : i32
        %dma_start3A_74 = tpu.memref_slice %arg5[%dma_start3A_72, %dma_start3A_73] : memref<10000x128xf32, #tpu.memory_space<hbm>> -> memref<10000x128xf32, #tpu.memory_space<hbm>>
        tpu.enqueue_indirect_dma source(%dma_start3A_74 : memref<10000x128xf32, #tpu.memory_space<hbm>>) target(%dma_start3A_68 : memref<128x128xf32, #tpu.memory_space<vmem>>) offsets(%dma_start3A_71 : memref<128xi32, #tpu.memory_space<vmem>>) semaphore(%arg16 : memref<!tpu.dma_semaphore, #tpu.memory_space<semaphore_mem>>)
        %dma_wait3A_75 = arith.constant 0 : i32
        %dma_wait3A_76 = arith.constant 0 : i32
        %dma_wait3A_77 = tpu.memref_slice %arg12[%cond3A_18, %dma_wait3A_75, %dma_wait3A_76] : memref<2x128x128xf32, #tpu.memory_space<vmem>> -> memref<1x128x128xf32, #tpu.memory_space<vmem>>
        %dma_wait3A_78 = tpu.memref_squeeze %dma_wait3A_77 : memref<1x128x128xf32, #tpu.memory_space<vmem>> -> memref<128x128xf32, #tpu.memory_space<vmem>>
        %dma_wait3A_79 = arith.constant 0 : i32
        %dma_wait3A_80 = tpu.memref_slice %arg10[%scan3A_64, %dma_wait3A_79] : memref<28x128xi32, #tpu.memory_space<vmem>> -> memref<1x128xi32, #tpu.memory_space<vmem>>
        %dma_wait3A_81 = tpu.memref_squeeze %dma_wait3A_80 : memref<1x128xi32, #tpu.memory_space<vmem>> -> memref<128xi32, #tpu.memory_space<vmem>>
        %dma_wait3A_82 = arith.constant 0 : i32
        %dma_wait3A_83 = arith.constant 0 : i32
        %dma_wait3A_84 = tpu.memref_slice %arg5[%dma_wait3A_82, %dma_wait3A_83] : memref<10000x128xf32, #tpu.memory_space<hbm>> -> memref<10000x128xf32, #tpu.memory_space<hbm>>
        tpu.wait_indirect_dma semaphore(%arg16 : memref<!tpu.dma_semaphore, #tpu.memory_space<semaphore_mem>>) src(%dma_wait3A_84 : memref<10000x128xf32, #tpu.memory_space<hbm>>) dst(%dma_wait3A_78 : memref<128x128xf32, #tpu.memory_space<vmem>>)
        "tpu.region"() ({
          %run_scoped3A = tpu.sem_alloc : memref<!tpu.dma_semaphore, #tpu.memory_space<semaphore_mem>>
          %dma_start3A_85 = arith.constant 0 : i32
          %dma_start3A_86 = arith.constant 0 : i32
          %dma_start3A_87 = tpu.memref_slice %arg12[%cond3A_18, %dma_start3A_85, %dma_start3A_86] : memref<2x128x128xf32, #tpu.memory_space<vmem>> -> memref<1x128x128xf32, #tpu.memory_space<vmem>>
          %dma_start3A_88 = tpu.memref_squeeze %dma_start3A_87 : memref<1x128x128xf32, #tpu.memory_space<vmem>> -> memref<128x128xf32, #tpu.memory_space<vmem>>
          %dma_start3A_89 = arith.constant 0 : i32
          %dma_start3A_90 = tpu.memref_slice %arg11[%scan3A_64, %dma_start3A_89] : memref<28x128xi32, #tpu.memory_space<vmem>> -> memref<1x128xi32, #tpu.memory_space<vmem>>
          %dma_start3A_91 = tpu.memref_squeeze %dma_start3A_90 : memref<1x128xi32, #tpu.memory_space<vmem>> -> memref<128xi32, #tpu.memory_space<vmem>>
          %dma_start3A_92 = arith.constant 0 : i32
          %dma_start3A_93 = arith.constant 0 : i32
          %dma_start3A_94 = tpu.memref_slice %arg13[%dma_start3A_92, %dma_start3A_93] : memref<10240x128xf32, #tpu.memory_space<vmem_shared>> -> memref<10240x128xf32, #tpu.memory_space<vmem_shared>>
          tpu.enqueue_indirect_dma source(%dma_start3A_88 : memref<128x128xf32, #tpu.memory_space<vmem>>) target(%dma_start3A_94 : memref<10240x128xf32, #tpu.memory_space<vmem_shared>>) offsets(%dma_start3A_91 : memref<128xi32, #tpu.memory_space<vmem>>) semaphore(%run_scoped3A : memref<!tpu.dma_semaphore, #tpu.memory_space<semaphore_mem>>) {add = true}
          %dma_wait3A_95 = arith.constant 0 : i32
          %dma_wait3A_96 = arith.constant 0 : i32
          %dma_wait3A_97 = tpu.memref_slice %arg12[%cond3A_18, %dma_wait3A_95, %dma_wait3A_96] : memref<2x128x128xf32, #tpu.memory_space<vmem>> -> memref<1x128x128xf32, #tpu.memory_space<vmem>>
          %dma_wait3A_98 = tpu.memref_squeeze %dma_wait3A_97 : memref<1x128x128xf32, #tpu.memory_space<vmem>> -> memref<128x128xf32, #tpu.memory_space<vmem>>
          %dma_wait3A_99 = arith.constant 0 : i32
          %dma_wait3A_100 = tpu.memref_slice %arg11[%scan3A_64, %dma_wait3A_99] : memref<28x128xi32, #tpu.memory_space<vmem>> -> memref<1x128xi32, #tpu.memory_space<vmem>>
          %dma_wait3A_101 = tpu.memref_squeeze %dma_wait3A_100 : memref<1x128xi32, #tpu.memory_space<vmem>> -> memref<128xi32, #tpu.memory_space<vmem>>
          %dma_wait3A_102 = arith.constant 0 : i32
          %dma_wait3A_103 = arith.constant 0 : i32
          %dma_wait3A_104 = tpu.memref_slice %arg13[%dma_wait3A_102, %dma_wait3A_103] : memref<10240x128xf32, #tpu.memory_space<vmem_shared>> -> memref<10240x128xf32, #tpu.memory_space<vmem_shared>>
          tpu.wait_indirect_dma semaphore(%run_scoped3A : memref<!tpu.dma_semaphore, #tpu.memory_space<semaphore_mem>>) src(%dma_wait3A_98 : memref<128x128xf32, #tpu.memory_space<vmem>>) dst(%dma_wait3A_104 : memref<10240x128xf32, #tpu.memory_space<vmem_shared>>)
          tpu.yield
        }) : () -> ()
      }
      %scan3A_63 = arith.constant 28 : i32
    } else {
    }
    %barrier3A_21 = arith.constant 0 : index
    tpu.barrier barrier_id(%barrier3A_21)
    %mul3A_22 = arith.constant 640 : i32
    %mul3A_23 = arith.muli %arg1, %mul3A_22 : i32
    %mul3A_24 = arith.constant 640 : i32
    %mul3A_25 = arith.muli %arg1, %mul3A_24 : i32
    "tpu.region"() ({
      %run_scoped3A = tpu.sem_alloc : memref<!tpu.dma_semaphore, #tpu.memory_space<semaphore_mem>>
      %dma_start3A = arith.constant 0 : i32
      %dma_start3A_26 = tpu.memref_slice %arg7[%arg0, %mul3A_25, %dma_start3A] : memref<2x10240x128xf32, #tpu.memory_space<hbm>> -> memref<1x640x128xf32, #tpu.memory_space<hbm>>
      %dma_start3A_27 = tpu.memref_squeeze %dma_start3A_26 : memref<1x640x128xf32, #tpu.memory_space<hbm>> -> memref<640x128xf32, #tpu.memory_space<hbm>>
      %dma_start3A_28 = arith.constant 0 : i32
      %dma_start3A_29 = tpu.memref_slice %arg13[%mul3A_23, %dma_start3A_28] : memref<10240x128xf32, #tpu.memory_space<vmem_shared>> -> memref<640x128xf32, #tpu.memory_space<vmem_shared>>
      tpu.enqueue_dma source(%dma_start3A_29 : memref<640x128xf32, #tpu.memory_space<vmem_shared>>) target(%dma_start3A_27 : memref<640x128xf32, #tpu.memory_space<hbm>>) target_semaphore(%run_scoped3A : memref<!tpu.dma_semaphore, #tpu.memory_space<semaphore_mem>>)
      %dma_wait3A = arith.constant 0 : i32
      %dma_wait3A_30 = tpu.memref_slice %arg7[%arg0, %mul3A_25, %dma_wait3A] : memref<2x10240x128xf32, #tpu.memory_space<hbm>> -> memref<1x640x128xf32, #tpu.memory_space<hbm>>
      %dma_wait3A_31 = tpu.memref_squeeze %dma_wait3A_30 : memref<1x640x128xf32, #tpu.memory_space<hbm>> -> memref<640x128xf32, #tpu.memory_space<hbm>>
      %dma_wait3A_32 = arith.constant 0 : i32
      %dma_wait3A_33 = tpu.memref_slice %arg13[%mul3A_23, %dma_wait3A_32] : memref<10240x128xf32, #tpu.memory_space<vmem_shared>> -> memref<640x128xf32, #tpu.memory_space<vmem_shared>>
      tpu.wait_dma2 semaphore(%run_scoped3A : memref<!tpu.dma_semaphore, #tpu.memory_space<semaphore_mem>>) src(%dma_wait3A_33 : memref<640x128xf32, #tpu.memory_space<vmem_shared>>) dst(%dma_wait3A_31 : memref<640x128xf32, #tpu.memory_space<hbm>>)
      tpu.yield
    }) : () -> ()
    return
  }
}

module attributes {stable_mosaic.version = 14 : i64} {
  func.func @_mm_body(%arg0: i32, %arg1: memref<1000x128xf32, #tpu.memory_space<vmem>>, %arg2: memref<128x128xf32, #tpu.memory_space<vmem>>, %arg3: memref<1000x128xf32, #tpu.memory_space<vmem>>) attributes {dimension_semantics = [#tpu.dimension_semantics<arbitrary>], iteration_bounds = array<i64: 10>, scalar_prefetch = 0 : i64, scratch_operands = 0 : i64, tpu.core_type = #tpu.core_type<tc>, window_params = [{transform_indices = @transform_0, window_bounds = array<i64: 1000, 128>}, {pipeline_mode = #tpu.pipeline_mode<synchronous>, transform_indices = @transform_1, window_bounds = array<i64: 128, 128>}, {transform_indices = @transform_2, window_bounds = array<i64: 1000, 128>}]} {
    %get3A = arith.constant 0 : index
    %get3A_0 = arith.constant 0 : index
    %get3A_1 = vector.load %arg1[%get3A, %get3A_0] : memref<1000x128xf32, #tpu.memory_space<vmem>>, vector<1000x128xf32>
    %get3A_2 = arith.constant 0 : index
    %get3A_3 = arith.constant 0 : index
    %get3A_4 = vector.load %arg2[%get3A_2, %get3A_3] : memref<128x128xf32, #tpu.memory_space<vmem>>, vector<128x128xf32>
    %dot_general3A = arith.constant dense<0.000000e+00> : vector<1000x128xf32>
    %dot_general3A_5 = tpu.matmul %get3A_1, %get3A_4, %dot_general3A {dimension_numbers = #tpu.dot_dimension_numbers<[1], [0], [0], [1], [0, 0, 1, 1], [], []>, transpose_lhs_hint = false} : vector<1000x128xf32>, vector<128x128xf32>, vector<1000x128xf32> -> vector<1000x128xf32>
    %swap3A = arith.constant 0 : index
    %swap3A_6 = arith.constant 0 : index
    %swap3A_7 = vector.load %arg3[%swap3A, %swap3A_6] : memref<1000x128xf32, #tpu.memory_space<vmem>>, vector<1000x128xf32>
    tpu.vector_store %arg3[%swap3A, %swap3A_6], %dot_general3A_5 {strides = array<i32>} : memref<1000x128xf32, #tpu.memory_space<vmem>>, vector<1000x128xf32>,
    return
  }
  func.func @transform_0(%arg0: i32) -> (i32, i32) {
    %c0_i32 = arith.constant 0 : i32
    %c0_i32_0 = arith.constant 0 : i32
    return %arg0, %c0_i32 : i32, i32
  }
  func.func @transform_1(%arg0: i32) -> (i32, i32) {
    %c0_i32 = arith.constant 0 : i32
    %c0_i32_0 = arith.constant 0 : i32
    %c0_i32_1 = arith.constant 0 : i32
    return %c0_i32, %c0_i32_0 : i32, i32
  }
  func.func @transform_2(%arg0: i32) -> (i32, i32) {
    %c0_i32 = arith.constant 0 : i32
    %c0_i32_0 = arith.constant 0 : i32
    return %arg0, %c0_i32 : i32, i32
  }
}

module attributes {stable_mosaic.version = 14 : i64} {
  func.func @_dinv_body(%arg0: i32, %arg1: memref<1280x32xf32, #tpu.memory_space<vmem>>, %arg2: memref<1280x128xf32, #tpu.memory_space<vmem>>) attributes {dimension_semantics = [#tpu.dimension_semantics<arbitrary>], iteration_bounds = array<i64: 8>, scalar_prefetch = 0 : i64, scratch_operands = 0 : i64, tpu.core_type = #tpu.core_type<tc>, window_params = [{transform_indices = @transform_0, window_bounds = array<i64: 1280, 32>}, {transform_indices = @transform_1, window_bounds = array<i64: 1280, 128>}]} {
    %get3A = arith.constant 0 : index
    %get3A_0 = arith.constant 0 : index
    %get3A_1 = vector.load %arg1[%get3A, %get3A_0] : memref<1280x32xf32, #tpu.memory_space<vmem>>, vector<1280x32xf32>
    %reduce_sum3A = arith.constant dense<0.000000e+00> : vector<1280xf32>
    %reduce_sum3A_2 = vector.multi_reduction <add>, %get3A_1, %reduce_sum3A [1] : vector<1280x32xf32> to vector<1280xf32>
    %broadcast_in_dim3A = vector.shape_cast %reduce_sum3A_2 : vector<1280xf32> to vector<1280x1xf32>
    %add3A = arith.constant 1.000000e+00 : f32
    %add3A_3 = vector.broadcast %add3A : f32 to vector<1280x1xf32>
    %add3A_4 = arith.addf %broadcast_in_dim3A, %add3A_3 : vector<1280x1xf32>
    %rsqrt3A = math.rsqrt %add3A_4 : vector<1280x1xf32>
    %broadcast_in_dim3A_5 = vector.shape_cast %rsqrt3A : vector<1280x1xf32> to vector<1280x1xf32>
    %broadcast_in_dim3A_6 = vector.broadcast %broadcast_in_dim3A_5 : vector<1280x1xf32> to vector<1280x128xf32>
    %swap3A = arith.constant 0 : index
    %swap3A_7 = arith.constant 0 : index
    %swap3A_8 = vector.load %arg2[%swap3A, %swap3A_7] : memref<1280x128xf32, #tpu.memory_space<vmem>>, vector<1280x128xf32>
    tpu.vector_store %arg2[%swap3A, %swap3A_7], %broadcast_in_dim3A_6 {strides = array<i32>} : memref<1280x128xf32, #tpu.memory_space<vmem>>, vector<1280x128xf32>,
    return
  }
  func.func @transform_0(%arg0: i32) -> (i32, i32) {
    %c0_i32 = arith.constant 0 : i32
    %c0_i32_0 = arith.constant 0 : i32
    return %arg0, %c0_i32 : i32, i32
  }
  func.func @transform_1(%arg0: i32) -> (i32, i32) {
    %c0_i32 = arith.constant 0 : i32
    %c0_i32_0 = arith.constant 0 : i32
    return %arg0, %c0_i32 : i32, i32
  }
}

module attributes {stable_mosaic.version = 14 : i64} {
  func.func @_mul_body(%arg0: i32, %arg1: memref<1000x128xf32, #tpu.memory_space<vmem>>, %arg2: memref<1000x128xf32, #tpu.memory_space<vmem>>, %arg3: memref<1000x128xf32, #tpu.memory_space<vmem>>) attributes {dimension_semantics = [#tpu.dimension_semantics<arbitrary>], iteration_bounds = array<i64: 10>, scalar_prefetch = 0 : i64, scratch_operands = 0 : i64, tpu.core_type = #tpu.core_type<tc>, window_params = [{transform_indices = @transform_0, window_bounds = array<i64: 1000, 128>}, {transform_indices = @transform_1, window_bounds = array<i64: 1000, 128>}, {transform_indices = @transform_2, window_bounds = array<i64: 1000, 128>}]} {
    %get3A = arith.constant 0 : index
    %get3A_0 = arith.constant 0 : index
    %get3A_1 = vector.load %arg1[%get3A, %get3A_0] : memref<1000x128xf32, #tpu.memory_space<vmem>>, vector<1000x128xf32>
    %get3A_2 = arith.constant 0 : index
    %get3A_3 = arith.constant 0 : index
    %get3A_4 = vector.load %arg2[%get3A_2, %get3A_3] : memref<1000x128xf32, #tpu.memory_space<vmem>>, vector<1000x128xf32>
    %mul3A = arith.mulf %get3A_1, %get3A_4 : vector<1000x128xf32>
    %swap3A = arith.constant 0 : index
    %swap3A_5 = arith.constant 0 : index
    %swap3A_6 = vector.load %arg3[%swap3A, %swap3A_5] : memref<1000x128xf32, #tpu.memory_space<vmem>>, vector<1000x128xf32>
    tpu.vector_store %arg3[%swap3A, %swap3A_5], %mul3A {strides = array<i32>} : memref<1000x128xf32, #tpu.memory_space<vmem>>, vector<1000x128xf32>,
    return
  }
  func.func @transform_0(%arg0: i32) -> (i32, i32) {
    %c0_i32 = arith.constant 0 : i32
    %c0_i32_0 = arith.constant 0 : i32
    return %arg0, %c0_i32 : i32, i32
  }
  func.func @transform_1(%arg0: i32) -> (i32, i32) {
    %c0_i32 = arith.constant 0 : i32
    %c0_i32_0 = arith.constant 0 : i32
    return %arg0, %c0_i32 : i32, i32
  }
  func.func @transform_2(%arg0: i32) -> (i32, i32) {
    %c0_i32 = arith.constant 0 : i32
    %c0_i32_0 = arith.constant 0 : i32
    return %arg0, %c0_i32 : i32, i32
  }
}

module attributes {stable_mosaic.version = 14 : i64} {
  func.func @_mid_body(%arg0: i32, %arg1: memref<2x1000x128xf32, #tpu.memory_space<vmem>>, %arg2: memref<1000x128xf32, #tpu.memory_space<vmem>>, %arg3: memref<1000x128xf32, #tpu.memory_space<vmem>>, %arg4: memref<1x128xf32, #tpu.memory_space<vmem>>, %arg5: memref<128x128xf32, #tpu.memory_space<vmem>>, %arg6: memref<1000x128xf32, #tpu.memory_space<vmem>>) attributes {dimension_semantics = [#tpu.dimension_semantics<arbitrary>], iteration_bounds = array<i64: 10>, scalar_prefetch = 0 : i64, scratch_operands = 0 : i64, tpu.core_type = #tpu.core_type<tc>, window_params = [{transform_indices = @transform_0, window_bounds = array<i64: 2, 1000, 128>}, {transform_indices = @transform_1, window_bounds = array<i64: 1000, 128>}, {transform_indices = @transform_2, window_bounds = array<i64: 1000, 128>}, {pipeline_mode = #tpu.pipeline_mode<synchronous>, transform_indices = @transform_3, window_bounds = array<i64: 1, 128>}, {pipeline_mode = #tpu.pipeline_mode<synchronous>, transform_indices = @transform_4, window_bounds = array<i64: 128, 128>}, {transform_indices = @transform_5, window_bounds = array<i64: 1000, 128>}]} {
    %get3A = arith.constant 0 : index
    %get3A_0 = arith.constant 0 : index
    %get3A_1 = vector.load %arg3[%get3A, %get3A_0] : memref<1000x128xf32, #tpu.memory_space<vmem>>, vector<1000x128xf32>
    %get3A_2 = arith.constant 0 : index
    %get3A_3 = arith.constant 0 : index
    %get3A_4 = arith.constant 0 : index
    %get3A_5 = vector.load %arg1[%get3A_2, %get3A_3, %get3A_4] : memref<2x1000x128xf32, #tpu.memory_space<vmem>>, vector<1x1000x128xf32>
    %get3A_6 = vector.shape_cast %get3A_5 : vector<1x1000x128xf32> to vector<1000x128xf32>
    %get3A_7 = arith.constant 1 : index
    %get3A_8 = arith.constant 0 : index
    %get3A_9 = arith.constant 0 : index
    %get3A_10 = vector.load %arg1[%get3A_7, %get3A_8, %get3A_9] : memref<2x1000x128xf32, #tpu.memory_space<vmem>>, vector<1x1000x128xf32>
    %get3A_11 = vector.shape_cast %get3A_10 : vector<1x1000x128xf32> to vector<1000x128xf32>
    %add3A = arith.addf %get3A_6, %get3A_11 : vector<1000x128xf32>
    %get3A_12 = arith.constant 0 : index
    %get3A_13 = arith.constant 0 : index
    %get3A_14 = vector.load %arg2[%get3A_12, %get3A_13] : memref<1000x128xf32, #tpu.memory_space<vmem>>, vector<1000x128xf32>
    %add3A_15 = arith.addf %add3A, %get3A_14 : vector<1000x128xf32>
    %mul3A = arith.mulf %get3A_1, %add3A_15 : vector<1000x128xf32>
    %get3A_16 = arith.constant 0 : index
    %get3A_17 = arith.constant 0 : index
    %get3A_18 = vector.load %arg4[%get3A_16, %get3A_17] : memref<1x128xf32, #tpu.memory_space<vmem>>, vector<1x128xf32>
    %add3A_19 = vector.broadcast %get3A_18 : vector<1x128xf32> to vector<1000x128xf32>
    %add3A_20 = arith.addf %mul3A, %add3A_19 : vector<1000x128xf32>
    %max3A = arith.constant 0.000000e+00 : f32
    %max3A_21 = vector.broadcast %max3A : f32 to vector<1000x128xf32>
    %max3A_22 = arith.maximumf %add3A_20, %max3A_21 : vector<1000x128xf32>
    %get3A_23 = arith.constant 0 : index
    %get3A_24 = arith.constant 0 : index
    %get3A_25 = vector.load %arg5[%get3A_23, %get3A_24] : memref<128x128xf32, #tpu.memory_space<vmem>>, vector<128x128xf32>
    %dot_general3A = arith.constant dense<0.000000e+00> : vector<1000x128xf32>
    %dot_general3A_26 = tpu.matmul %max3A_22, %get3A_25, %dot_general3A {dimension_numbers = #tpu.dot_dimension_numbers<[1], [0], [0], [1], [0, 0, 1, 1], [], []>, transpose_lhs_hint = false} : vector<1000x128xf32>, vector<128x128xf32>, vector<1000x128xf32> -> vector<1000x128xf32>
    %get3A_27 = arith.constant 0 : index
    %get3A_28 = arith.constant 0 : index
    %get3A_29 = vector.load %arg3[%get3A_27, %get3A_28] : memref<1000x128xf32, #tpu.memory_space<vmem>>, vector<1000x128xf32>
    %mul3A_30 = arith.mulf %dot_general3A_26, %get3A_29 : vector<1000x128xf32>
    %swap3A = arith.constant 0 : index
    %swap3A_31 = arith.constant 0 : index
    %swap3A_32 = vector.load %arg6[%swap3A, %swap3A_31] : memref<1000x128xf32, #tpu.memory_space<vmem>>, vector<1000x128xf32>
    tpu.vector_store %arg6[%swap3A, %swap3A_31], %mul3A_30 {strides = array<i32>} : memref<1000x128xf32, #tpu.memory_space<vmem>>, vector<1000x128xf32>,
    return
  }
  func.func @transform_0(%arg0: i32) -> (i32, i32, i32) {
    %c0_i32 = arith.constant 0 : i32
    %c0_i32_0 = arith.constant 0 : i32
    %c0_i32_1 = arith.constant 0 : i32
    return %c0_i32, %arg0, %c0_i32_0 : i32, i32, i32
  }
  func.func @transform_1(%arg0: i32) -> (i32, i32) {
    %c0_i32 = arith.constant 0 : i32
    %c0_i32_0 = arith.constant 0 : i32
    return %arg0, %c0_i32 : i32, i32
  }
  func.func @transform_2(%arg0: i32) -> (i32, i32) {
    %c0_i32 = arith.constant 0 : i32
    %c0_i32_0 = arith.constant 0 : i32
    return %arg0, %c0_i32 : i32, i32
  }
  func.func @transform_3(%arg0: i32) -> (i32, i32) {
    %c0_i32 = arith.constant 0 : i32
    %c0_i32_0 = arith.constant 0 : i32
    %c0_i32_1 = arith.constant 0 : i32
    return %c0_i32, %c0_i32_0 : i32, i32
  }
  func.func @transform_4(%arg0: i32) -> (i32, i32) {
    %c0_i32 = arith.constant 0 : i32
    %c0_i32_0 = arith.constant 0 : i32
    %c0_i32_1 = arith.constant 0 : i32
    return %c0_i32, %c0_i32_0 : i32, i32
  }
  func.func @transform_5(%arg0: i32) -> (i32, i32) {
    %c0_i32 = arith.constant 0 : i32
    %c0_i32_0 = arith.constant 0 : i32
    return %arg0, %c0_i32 : i32, i32
  }
}

module attributes {stable_mosaic.version = 14 : i64} {
  func.func @_fin_body(%arg0: i32, %arg1: memref<2x1000x128xf32, #tpu.memory_space<vmem>>, %arg2: memref<1000x128xf32, #tpu.memory_space<vmem>>, %arg3: memref<1000x128xf32, #tpu.memory_space<vmem>>, %arg4: memref<1x128xf32, #tpu.memory_space<vmem>>, %arg5: memref<1000x128xf32, #tpu.memory_space<vmem>>) attributes {dimension_semantics = [#tpu.dimension_semantics<arbitrary>], iteration_bounds = array<i64: 10>, scalar_prefetch = 0 : i64, scratch_operands = 0 : i64, tpu.core_type = #tpu.core_type<tc>, window_params = [{transform_indices = @transform_0, window_bounds = array<i64: 2, 1000, 128>}, {transform_indices = @transform_1, window_bounds = array<i64: 1000, 128>}, {transform_indices = @transform_2, window_bounds = array<i64: 1000, 128>}, {pipeline_mode = #tpu.pipeline_mode<synchronous>, transform_indices = @transform_3, window_bounds = array<i64: 1, 128>}, {transform_indices = @transform_4, window_bounds = array<i64: 1000, 128>}]} {
    %get3A = arith.constant 0 : index
    %get3A_0 = arith.constant 0 : index
    %get3A_1 = vector.load %arg3[%get3A, %get3A_0] : memref<1000x128xf32, #tpu.memory_space<vmem>>, vector<1000x128xf32>
    %get3A_2 = arith.constant 0 : index
    %get3A_3 = arith.constant 0 : index
    %get3A_4 = arith.constant 0 : index
    %get3A_5 = vector.load %arg1[%get3A_2, %get3A_3, %get3A_4] : memref<2x1000x128xf32, #tpu.memory_space<vmem>>, vector<1x1000x128xf32>
    %get3A_6 = vector.shape_cast %get3A_5 : vector<1x1000x128xf32> to vector<1000x128xf32>
    %get3A_7 = arith.constant 1 : index
    %get3A_8 = arith.constant 0 : index
    %get3A_9 = arith.constant 0 : index
    %get3A_10 = vector.load %arg1[%get3A_7, %get3A_8, %get3A_9] : memref<2x1000x128xf32, #tpu.memory_space<vmem>>, vector<1x1000x128xf32>
    %get3A_11 = vector.shape_cast %get3A_10 : vector<1x1000x128xf32> to vector<1000x128xf32>
    %add3A = arith.addf %get3A_6, %get3A_11 : vector<1000x128xf32>
    %get3A_12 = arith.constant 0 : index
    %get3A_13 = arith.constant 0 : index
    %get3A_14 = vector.load %arg2[%get3A_12, %get3A_13] : memref<1000x128xf32, #tpu.memory_space<vmem>>, vector<1000x128xf32>
    %add3A_15 = arith.addf %add3A, %get3A_14 : vector<1000x128xf32>
    %mul3A = arith.mulf %get3A_1, %add3A_15 : vector<1000x128xf32>
    %get3A_16 = arith.constant 0 : index
    %get3A_17 = arith.constant 0 : index
    %get3A_18 = vector.load %arg4[%get3A_16, %get3A_17] : memref<1x128xf32, #tpu.memory_space<vmem>>, vector<1x128xf32>
    %add3A_19 = vector.broadcast %get3A_18 : vector<1x128xf32> to vector<1000x128xf32>
    %add3A_20 = arith.addf %mul3A, %add3A_19 : vector<1000x128xf32>
    %logistic3A = arith.negf %add3A_20 : vector<1000x128xf32>
    %logistic3A_21 = math.exp %logistic3A : vector<1000x128xf32>
    %logistic3A_22 = arith.constant 1.000000e+00 : f32
    %logistic3A_23 = vector.broadcast %logistic3A_22 : f32 to vector<1000x128xf32>
    %logistic3A_24 = arith.addf %logistic3A_23, %logistic3A_21 : vector<1000x128xf32>
    %logistic3A_25 = arith.divf %logistic3A_23, %logistic3A_24 : vector<1000x128xf32>
    %swap3A = arith.constant 0 : index
    %swap3A_26 = arith.constant 0 : index
    %swap3A_27 = vector.load %arg5[%swap3A, %swap3A_26] : memref<1000x128xf32, #tpu.memory_space<vmem>>, vector<1000x128xf32>
    tpu.vector_store %arg5[%swap3A, %swap3A_26], %logistic3A_25 {strides = array<i32>} : memref<1000x128xf32, #tpu.memory_space<vmem>>, vector<1000x128xf32>,
    return
  }
  func.func @transform_0(%arg0: i32) -> (i32, i32, i32) {
    %c0_i32 = arith.constant 0 : i32
    %c0_i32_0 = arith.constant 0 : i32
    %c0_i32_1 = arith.constant 0 : i32
    return %c0_i32, %arg0, %c0_i32_0 : i32, i32, i32
  }
  func.func @transform_1(%arg0: i32) -> (i32, i32) {
    %c0_i32 = arith.constant 0 : i32
    %c0_i32_0 = arith.constant 0 : i32
    return %arg0, %c0_i32 : i32, i32
  }
  func.func @transform_2(%arg0: i32) -> (i32, i32) {
    %c0_i32 = arith.constant 0 : i32
    %c0_i32_0 = arith.constant 0 : i32
    return %arg0, %c0_i32 : i32, i32
  }
  func.func @transform_3(%arg0: i32) -> (i32, i32) {
    %c0_i32 = arith.constant 0 : i32
    %c0_i32_0 = arith.constant 0 : i32
    %c0_i32_1 = arith.constant 0 : i32
    return %c0_i32, %c0_i32_0 : i32, i32
  }
  func.func @transform_4(%arg0: i32) -> (i32, i32) {
    %c0_i32 = arith.constant 0 : i32
    %c0_i32_0 = arith.constant 0 : i32
    return %arg0, %c0_i32 : i32, i32
  }
}

</mosaic_0001>

<sc_bundles>
// kernel: kernel.10.cloned.1.call-start
scs
__scs_entry_jumppad:
0x0: {  	(pc) =	sbr.rel $0x88, $3  }
0x1: {  	(tag) =	ssettag $0x0;
	lr =	simm.s32 $0x1  }
0x2: {  	[smem:$0x3F9B] =	sst lr;
	_ =	strace $0xD0000000  }
0x3: {  	_ = 	snop  }
0x4: {  	_ = 	snop  }
0x5: {  	_ = 	snop  }
0x6: {  	_ = 	snop  }
0x7: {  	_ = 	snop  }
__scs_overlays_trampoline_lowered:
0x8: {  	[smem:$0x3FAA] =	sst s0  }
0x9: {  	[smem:$0x3FAB] =	sst s1  }
0xa: {  	[smem:$0x3FAC] =	sst s2  }
0xb: {  	[smem:$0x3FAD] =	sst s3  }
0xc: {  	[smem:$0x3FAE] =	sst s4  }
0xd: {  	[smem:$0x3FAF] =	sst s5  }
0xe: {  	[smem:$0x3FB0] =	sst s6  }
0xf: {  	[smem:$0x3FB1] =	sst s7  }
0x10: {  	[smem:$0x3FB2] =	sst s8  }
0x11: {  	[smem:$0x3FB3] =	sst s9;
	s0 =	simm.s32 @!p0 $0x0  }
0x12: {  	s1 =	sld [smem:$0x3F99];
	s0 =	simm.s32 @p0 $0x1  }
0x13: {  	[smem:$0x3FB4] =	sst s0;
	s0 =	simm.s32 @!p1 $0x0  }
0x14: {  	s2 =	sld [smem:$0x3F98];
	s0 =	simm.s32 @p1 $0x1  }
0x15: {  	[smem:$0x3FB5] =	sst s0;
	s0 =	simm.s32 @!p2 $0x0  }
0x16: {  	s3 =	sld [smem:$0x3FDB];
	s0 =	simm.s32 @p2 $0x1  }
0x17: {  	s4 =	simm.s32 $0x1BF5;
	[smem:$0x3FB7] =	sst s0  }
0x18: {  	s0 =	sld [smem:$0x3F9A];
	_ =	swait.ge [sflag:s4], $0x0  }
0x19: {  	s7 =	sld [smem:$0x3F9B]  }
0x1a: {  	s8 =	sadd.s32 $0xFFFFE003, lr  }
0x1b: {  	s9 =	sadd.s32 $0xFFFFFEF7, lr;
	s5 =	simm.s32 $0xFFFFFFFF;
	p2 =	slt.u32 s8, $0xFFFFF086  }
0x1c: {  	p1 =	slt.u32 s9, $0xF7A;
	s5 =	simm.s32 @!p2 $0x0  }
0x1d: {  	s5 =	simm.s32 @p1 $0x1;
	p0 =	seq.s32 s7, s2  }
0x1e: {  	s7 =	smul.u32 @!p0 $0xF7A, s2;
	p2 =	seq.s32 @!p0 s5, $0x0  }
0x1f: {  	s9 =	smul.u32 $0xF7A, s1;
	s8 =	simm.s32 @!p0 $0x1BF5;
	p2 =	por !p2, p0  }
0x20: {  	[sflag:s8] =	ssyncset.s32 @!p0 $0xFFFFF086;
	s6 =	sadd.s32 @!p0 s3, s7;
	s7 =	simm.s32 @!p0 $0x108  }
0x21: {  	s3 =	sadd.s32 s3, s9;
	s6 =	sadd.s32 @!p0 $0x88, s6;
	s7 =	simm.s32 @p2 $0x1082  }
0x22: {  	[simem:s7], [sflag:s8] =	dma.local @!p0 [hbm:s6], $0xF7A  }
0x23: {  	s9 =	sor.u32 $0xD0000000, s2;
	s6 =	simm.s32 $0x108;
	_ =	swait.ge @!p0 [sflag:s8], $0x0  }
0x24: {  	s3 =	sadd.s32 $0x88, s3;
	s6 =	simm.s32 @!p1 $0x1082;
	[sflag:s4] =	ssyncset.s32 $0xFFFFF086  }
0x25: {  	[simem:s6], [sflag:s4] =	dma.local [hbm:s3], $0xF7A  }
0x26: {  	[smem:$0x3F9B] =	sst s1;
	(tag) =	ssettag s2;
	_ =	strace s9  }
0x27: {  	s1 =	sld [smem:$0x3FAB]  }
0x28: {  	s2 =	sld [smem:$0x3FAC]  }
0x29: {  	s4 =	sld [smem:$0x3FAE]  }
0x2a: {  	p0 =	seq.s32 s5, $0x0;
	s5 =	sld [smem:$0x3FAF]  }
0x2b: {  	s6 =	sld [smem:$0x3FB0]  }
0x2c: {  	s7 =	sld [smem:$0x3FB1]  }
0x2d: {  	s3 =	simm.s32 $0x108;
	s8 =	sld [smem:$0x3FB2]  }
0x2e: {  	s3 =	simm.s32 @!p0 $0x1082;
	s9 =	sld [smem:$0x3FB3]  }
0x2f: {  	lr =	sadd.s32 s0, s3;
	s0 =	sld [smem:$0x3FAA]  }
0x30: {  	s3 =	sld [smem:$0x3FAD]  }
0x31: {  	[smem:$0x3FB6] =	sst s10  }
0x32: {  	s10 =	sld [smem:$0x3FB4];
	_ =	sdelay $0x3  }
0x33: {  	p0 =	seq.s32 s10, $0x1;
	s10 =	sld [smem:$0x3FB6];
	_ =	sdelay $0x3  }
0x34: {  	[smem:$0x3FB6] =	sst s10  }
0x35: {  	s10 =	sld [smem:$0x3FB5];
	_ =	sdelay $0x3  }
0x36: {  	p1 =	seq.s32 s10, $0x1;
	s10 =	sld [smem:$0x3FB6];
	_ =	sdelay $0x3  }
0x37: {  	[smem:$0x3FB6] =	sst s10  }
0x38: {  	s10 =	sld [smem:$0x3FB7]  }
0x39: {  	_ = 	snop;
	(pc) =	sbr.ind lr, $3  }
0x3a: {  	_ = 	snop  }
0x3b: {  	_ = 	snop  }
0x3c: {  	p2 =	seq.s32 s10, $0x1;
	s10 =	sld [smem:$0x3FB6]  }
0x3d: {  	_ =	shalt  }
0x3e: {  	_ =	shalt  }
0x3f: {  	_ =	shalt  }
0x40: {  	_ =	shalt  }
0x41: {  	_ =	shalt  }
0x42: {  	_ =	shalt  }
0x43: {  	_ =	shalt  }
0x44: {  	_ =	shalt  }
0x45: {  	_ =	shalt  }
0x46: {  	_ =	shalt  }
0x47: {  	_ =	shalt  }
0x48: {  	_ =	shalt  }
0x49: {  	_ =	shalt  }
0x4a: {  	_ =	shalt  }
0x4b: {  	_ =	shalt  }
0x4c: {  	_ =	shalt  }
0x4d: {  	_ =	shalt  }
0x4e: {  	_ =	shalt  }
0x4f: {  	_ =	shalt  }
0x50: {  	_ =	shalt  }
0x51: {  	_ =	shalt  }
0x52: {  	_ =	shalt  }
0x53: {  	_ =	shalt  }
0x54: {  	_ =	shalt  }
0x55: {  	_ =	shalt  }
0x56: {  	_ =	shalt  }
0x57: {  	_ =	shalt  }
0x58: {  	_ =	shalt  }
0x59: {  	_ =	shalt  }
0x5a: {  	_ =	shalt  }
0x5b: {  	_ =	shalt  }
0x5c: {  	_ =	shalt  }
0x5d: {  	_ =	shalt  }
0x5e: {  	_ =	shalt  }
0x5f: {  	_ =	shalt  }
0x60: {  	_ =	shalt  }
0x61: {  	_ =	shalt  }
0x62: {  	_ =	shalt  }
0x63: {  	_ =	shalt  }
0x64: {  	_ =	shalt  }
0x65: {  	_ =	shalt  }
0x66: {  	_ =	shalt  }
0x67: {  	_ =	shalt  }
0x68: {  	_ =	shalt  }
0x69: {  	_ =	shalt  }
0x6a: {  	_ =	shalt  }
0x6b: {  	_ =	shalt  }
0x6c: {  	_ =	shalt  }
0x6d: {  	_ =	shalt  }
0x6e: {  	_ =	shalt  }
0x6f: {  	_ =	shalt  }
0x70: {  	_ =	shalt  }
0x71: {  	_ =	shalt  }
0x72: {  	_ =	shalt  }
0x73: {  	_ =	shalt  }
0x74: {  	_ =	shalt  }
0x75: {  	_ =	shalt  }
0x76: {  	_ =	shalt  }
0x77: {  	_ =	shalt  }
0x78: {  	_ =	shalt  }
0x79: {  	_ =	shalt  }
0x7a: {  	_ =	shalt  }
0x7b: {  	_ =	shalt  }
0x7c: {  	_ =	shalt  }
0x7d: {  	_ =	shalt  }
0x7e: {  	_ =	shalt  }
0x7f: {  	_ =	shalt  }
0x80: {  	_ =	shalt  }
0x81: {  	_ =	shalt  }
0x82: {  	_ =	shalt  }
0x83: {  	_ =	shalt  }
0x84: {  	_ =	shalt  }
0x85: {  	_ =	shalt  }
0x86: {  	_ =	shalt  }
0x87: {  	_ =	shalt  }
.Lfunc_end0:
.L_simem_size_0:
called_computation_lowered:
.L_overlay_start_0:
0x88: {  	s2 =	sld [smem:$0x3FD9]  }
0x89: {  	s3 =	sld [smem:$0x3FFE];
	_ =	sdelay $0x1  }
0x8a: {  	s1 =	srdreg.scid  }
0x8b: {  	s0 =	sand.u32 $0x1, s1  }
0x8c: {  	s17 =	sshll.u32 s0, $0xA;
	s2 =	sadd.s32 s3, s2  }
0x8d: {  	s2 =	sadd.s32 s2, s17  }
0x8e: {  	[smem:$0x3FC2] =	sst s2  }
0x8f: {  	_ = 	snop  }
0x90: {  	s2 =	sld [smem:$0x3FD0];
	(tm) =	ssettm $0x1  }
0x91: {  	s18 =	sld [smem:$0x3FFB];
	_ =	sdelay $0x3  }
0x92: {  	_ =	strace s18  }
0x93: {  	s3 =	sld [smem:$0x3FFC];
	_ =	sdelay $0x3  }
0x94: {  	_ =	strace s3  }
0x95: {  	s3 =	sld [smem:$0x3FFD];
	_ =	sdelay $0x3  }
0x96: {  	_ =	strace s3  }
0x97: {  	_ =	strace $0x8FFFFFFF  }
0x98: {  	s19 =	sld [smem:$0x3FDB];
	_ =	sdelay $0x1  }
0x99: {  	s4 =	simm.s32 $_scs_section_size  }
0x9a: {  	s5 =	simm.s32 $_size__tile_overlayer_lowered;
	s6 =	simm.s32 $_tile_overlayer_lowered  }
0x9b: {  	s22 =	simm.s32 $0x1BFF;
	s21 =	sshll.u32 s6, $0x1;
	s3 =	sadd.s32 s4, s19  }
0x9c: {  	s7 =	simm.s32 $0x0;
	s20 =	sshll.u32 s5, $0x1;
	s5 =	sadd.s32 s21, s3  }
0x9d: {  	[timem:s7], [sflag:s22] =	dma.local [hbm:s5], s20  }
0x9e: {  	_ =	swait.ge [sflag:s22], s20  }
0x9f: {  	s4 =	ssub.s32 $0x0, s20;
	[sflag:s22] =	ssyncset.done $0x0  }
0xa0: {  	[sflag:s22] =	ssyncadd.s32 s4;
	_ =	sdelay $0x1  }
0xa1: {  	s23 =	simm.s32 $0x1B8B  }
0xa2: {  	_ =	swait.ge [sflag:s23], $0x1  }
0xa3: {  	[sflag:s23] =	ssyncset.done $0x0  }
0xa4: {  	s25 =	simm.s32 $0x1B8E;
	s24 =	sld [smem:$0x3FFE];
	[sflag:s23] =	ssyncadd.s32 $0xFFFFFFFF  }
0xa5: {  	s26 =	simm.s32 $execute0_lowered;
	[smem:$0x3FD2] =	sst s25  }
0xa6: {  	s5 =	sshll.u32 s26, $0x1;
	_ =	strace $0x80000046;
	[dreg:$0x1] =	wrdreg $0xFFFFFFFF  }
0xa7: {  	s28 =	simm.s32 $_size_execute0_lowered;
	s3 =	sadd.s32 s3, s5;
	[dreg:$0x0] =	wrdreg $0x0  }
0xa8: {  	s5 =	sshll.u32 s28, $0x1;
	[dreg:$0x2] =	wrdreg s3  }
0xa9: {  	[dreg:$0x3] =	wrdreg s5  }
0xaa: {  	[dreg:$0x4] =	wrdreg $0xC0  }
0xab: {  	_ =	task [dreg:s7], $0x5FFFF  }
0xac: {  	[dreg:$0x1] =	wrdreg $0xFFFFFFFF  }
0xad: {  	[dreg:$0x0] =	wrdreg $0x60  }
0xae: {  	[dreg:$0x2] =	wrdreg s2  }
0xaf: {  	[dreg:$0x3] =	wrdreg s24  }
0xb0: {  	[dreg:$0x4] =	wrdreg $0x9  }
0xb1: {  	_ =	task.clear_ibuf [dreg:s7], $0x5FFFF;
	_ =	strace $0x90000046  }
0xb2: {  	s29 =	simm.s32 $0x9;
	_ =	strace $0x80000048  }
0xb3: {  	_ =	swait.ge [sflag:s29], $0x1  }
0xb4: {  	[sflag:s29] =	ssyncadd.s32 $0xFFFFFFFF  }
0xb5: {  	_ =	strace $0x90000048  }
0xb6: {  	_ =	sfence  }
0xb7: {  	s30 =	sld [smem:$0x0];
	_ =	sdelay $0x2  }
0xb8: {  	s31 =	sshll.u32 s1, $0xD;
	s1 =	sshrl.u32 s1, $0x2  }
0xb9: {  	s3 =	sand.u32 $0x4000, s31;
	s1 =	sadd.s32 s1, s30  }
0xba: {  	s0 =	sor.u32 s3, s0;
	s1 =	sshll.u32 s1, $0x11  }
0xbb: {  	s0 =	sor.u32 s1, s0  }
0xbc: {  	s0 =	sadd.s32 $0x8F2B, s0  }
0xbd: {  	[sflag:s0] =	ssyncadd.remote.s32 $0x1  }
0xbe: {  	_ =	sfence.sel $0xFFFF  }
0xbf: {  	[dreg:$0x0] =	wrdreg $0xFFFFFFFF;
	(pc) =	sbr.abs _section_cstart, $3  }
0xc0: {  	[dreg:$0x1] =	wrdreg $0xFFFFFFFF  }
0xc1: {  	_ =	task.clear_ibuf [dreg:s7], $0x2FFFF;
	_ =	strace $0x9FFFFFFF  }
0xc2: {  	(tm) =	ssettm $0x7FFFFFFF  }
0xc3: {  	_ =	shalt  }
tec
execute0_lowered:
.L_overlay_start_1:
0x0: {  	(tag) =	ssettag $0x1  }
0x1: {  	s0 =	srdreg.scid;
	s4 =	rddreg [dreg:$0x0]  }
0x2: {  	s5 =	rddreg [dreg:$0x1];
	s3 =	sand.u32 $0x1, s0  }
0x3: {  	s2 =	simm.s32 $0x0;
	s0 =	stileid.u32;
	s1 =	sshll.u32 s3, $0x4  }
0x4: {  	s9 =	simm.s32 $0x80;
	s10 =	simm.s32 $0x400;
	s6 =	sor.u32 s0, s1  }
0x5: {  	s11 =	simm.s32 $0x0;
	[smem:$0x7FF] =	sst s2;
	s7 =	sshrl.u32 s6, $0x3  }
0x6: {  	s8 =	sshll.u32 s0, $0x7;
	s30 =	ssub.s32 $0x2, s3;
	s7 =	smul.u32 $0x14000, s7  }
0x7: {  	s3 =	sadd.s32 $0x2800, s5;
	s8 =	sand.u32 $0x380, s8;
	s6 =	smul.u32 $0x500, s6  }
0x8: {  	s1 =	rddreg [dreg:$0x2];
	_ =	strace $0x80000047;
	s7 =	sor.u32 s8, s7  }
0x9: {  	s31 =	sshrl.u32 s30, $0x1;
	s4 =	sadd.s32 s4, s6;
	s7 =	sshrl.u32 s7, $0x3  }
0xa: {  	s8 =	simm.s32 $0x2800;
	s5 =	sadd.s32 s7, s5;
	s7 =	ssub.s32 s30, s31  }
0xb: {  	v0 =	vimm.f32 $1.000000000e+00;
	s5 =	sadd.s32 $0x2E00, s5;
	s6 =	smax.u32 s7, $0x1;
	s7 =	simm.s32 $0x1  }
.LBB2_1:
0xc: {  	[tilespmem:s2], [sflag:$0x1] =	stream.linear.gather [hbm4b:s4+s2], $0x2800, $0x38;
	[tilespmem:$0x5000] =	vst v63  }
0xd: {  	_ =	swait.ge [sflag:s7], $0x2800  }
0xe: {  	[sflag:s7] =	ssyncset.done $0x0  }
0xf: {  	[sflag:s7] =	ssyncadd.s32 $0xFFFFD800  }
0x10: {  	[tilespmem:s8], [sflag:$0x1] =	stream.linear.gather [hbm4b:s3+s2], $0x2800, $0x38;
	[tilespmem:$0x5000] =	vst v63  }
0x11: {  	_ =	swait.ge [sflag:s7], $0x2800  }
0x12: {  	[sflag:s7] =	ssyncset.done $0x0  }
0x13: {  	s12 =	simm.s32 $0x1C0;
	[sflag:s7] =	ssyncadd.s32 $0xFFFFD800  }
.LBB2_2:
0x14: {  	s13 =	sshra.s32 s12, $0x2  }
0x15: {  	v1 =	vld [tilespmem:s13+$0xFFFFFF90];
	_ =	sdelay $0x7  }
0x16: {  	[tilespmem:v1+s8+$0x0] =	vst.idx.add.f32.msk $0xffff, v0  }
0x17: {  	v1 =	vld [tilespmem:s13+$0xFFFFFFA0];
	_ =	sdelay $0x7  }
0x18: {  	[tilespmem:v1+s8+$0x0] =	vst.idx.add.f32.msk $0xffff, v0  }
0x19: {  	v1 =	vld [tilespmem:s13+$0xFFFFFFB0];
	_ =	sdelay $0x7  }
0x1a: {  	[tilespmem:v1+s8+$0x0] =	vst.idx.add.f32.msk $0xffff, v0  }
0x1b: {  	v1 =	vld [tilespmem:s13+$0xFFFFFFC0];
	_ =	sdelay $0x7  }
0x1c: {  	[tilespmem:v1+s8+$0x0] =	vst.idx.add.f32.msk $0xffff, v0  }
0x1d: {  	v1 =	vld [tilespmem:s13+$0xFFFFFFD0];
	_ =	sdelay $0x7  }
0x1e: {  	[tilespmem:v1+s8+$0x0] =	vst.idx.add.f32.msk $0xffff, v0  }
0x1f: {  	v1 =	vld [tilespmem:s13+$0xFFFFFFE0];
	_ =	sdelay $0x7  }
0x20: {  	[tilespmem:v1+s8+$0x0] =	vst.idx.add.f32.msk $0xffff, v0  }
0x21: {  	v1 =	vld [tilespmem:s13+$0xFFFFFFF0];
	_ =	sdelay $0x7  }
0x22: {  	[tilespmem:v1+s8+$0x0] =	vst.idx.add.f32.msk $0xffff, v0  }
0x23: {  	v1 =	vld [tilespmem:s13+$0x0];
	_ =	sdelay $0x2  }
0x24: {  	p0 =	sne.s32 s12, $0x9FC0  }
.Ltmp0:
0x25: {  	_ = 	snop;
	(pc) =	sbr.rel @p0 .LBB2_2-.Ltmp0, $2  }
0x26: {  	_ =	sdelay $0x2  }
0x27: {  	s12 =	sadd.s32 $0x200, s12;
	[tilespmem:v1+s8+$0x0] =	vst.idx.add.f32.msk $0xffff, v0  }
0x28: {  	s11 =	sadd.s32 $0x1, s11  }
0x29: {  	p0 =	sne.s32 s11, s6  }
.Ltmp1:
0x2a: {  	_ = 	snop;
	(pc) =	sbr.rel @p0 .LBB2_1-.Ltmp1, $4  }
0x2b: {  	[hbm4b:s5+s9] =	stream.strided.scatter [tilespmem:s8], [sflag:$0x1], $0x2800, s10, s9, $0x38;
	[tilespmem:$0x5000] =	vst v63  }
0x2c: {  	_ =	swait.ge [sflag:s7], $0x2800  }
0x2d: {  	[sflag:s7] =	ssyncset.done $0x0  }
0x2e: {  	[sflag:s7] =	ssyncadd.s32 $0xFFFFD800  }
0x2f: {  	_ =	sfence.sel $0x180000  }
0x30: {  	[bflag:$0x0] =	sbarrier.arrive $0xFFFF  }
0x31: {  	p0 =	sne.s32 s0, $0x0;
	_ =	strace $0x90000047  }
0x32: {  	s0 =	sadd.s32 @!p0 $0x100000, s1;
	[bflag:$0x2] =	sbarrier.arrive $0xFFFF  }
0x33: {  	[sflag:s0] =	ssyncadd.tile.s32 @!p0 $0x1;
	_ =	shalt  }
.Lfunc_end2:
_tile_overlayer_lowered:
.L_overlay_start_2:
0x34: {  	(tag) =	ssettag $0x2  }
0x35: {  	s0 =	rddreg [dreg:$0x0];
	s2 =	stileid.u32  }
0x36: {  	s1 =	rddreg [dreg:$0x1];
	p0 =	sne.s32 s2, $0x0  }
0x37: {  	s3 =	rddreg [dreg:$0x2];
	[bflag:$0x3] =	sbarrier.arrive $0xFFFF;
	s2 =	simm.s32 @!p0 $0x1C01  }
0x38: {  	[timem:s3], [sflag:s2] =	dma.local @!p0 [hbm:s0], s1  }
0x39: {  	s0 =	simm.s32 @!p0 $0x1  }
0x3a: {  	_ =	swait.ge @!p0 [sflag:s0], s1  }
0x3b: {  	s1 =	ssub.s32 @!p0 $0x0, s1;
	[sflag:s0] =	ssyncset.done @!p0 $0x0  }
0x3c: {  	[sflag:s0] =	ssyncadd.s32 @!p0 s1  }
0x3d: {  	[bflag:$0x3] =	sbarrier.arrive $0xFFFF  }
0x3e: {  	_ =	shalt  }

// kernel: kernel.13.cloned.1.call-start
scs
__scs_entry_jumppad:
0x0: {  	(pc) =	sbr.rel $0x88, $3  }
0x1: {  	(tag) =	ssettag $0x0;
	lr =	simm.s32 $0x1  }
0x2: {  	[smem:$0x3F9B] =	sst lr;
	_ =	strace $0xD0000000  }
0x3: {  	_ = 	snop  }
0x4: {  	_ = 	snop  }
0x5: {  	_ = 	snop  }
0x6: {  	_ = 	snop  }
0x7: {  	_ = 	snop  }
__scs_overlays_trampoline_lowered:
0x8: {  	[smem:$0x3FAA] =	sst s0  }
0x9: {  	[smem:$0x3FAB] =	sst s1  }
0xa: {  	[smem:$0x3FAC] =	sst s2  }
0xb: {  	[smem:$0x3FAD] =	sst s3  }
0xc: {  	[smem:$0x3FAE] =	sst s4  }
0xd: {  	[smem:$0x3FAF] =	sst s5  }
0xe: {  	[smem:$0x3FB0] =	sst s6  }
0xf: {  	[smem:$0x3FB1] =	sst s7  }
0x10: {  	[smem:$0x3FB2] =	sst s8  }
0x11: {  	[smem:$0x3FB3] =	sst s9;
	s0 =	simm.s32 @!p0 $0x0  }
0x12: {  	s1 =	sld [smem:$0x3F99];
	s0 =	simm.s32 @p0 $0x1  }
0x13: {  	[smem:$0x3FB4] =	sst s0;
	s0 =	simm.s32 @!p1 $0x0  }
0x14: {  	s2 =	sld [smem:$0x3F98];
	s0 =	simm.s32 @p1 $0x1  }
0x15: {  	[smem:$0x3FB5] =	sst s0;
	s0 =	simm.s32 @!p2 $0x0  }
0x16: {  	s3 =	sld [smem:$0x3FDB];
	s0 =	simm.s32 @p2 $0x1  }
0x17: {  	s4 =	simm.s32 $0x1BF5;
	[smem:$0x3FB7] =	sst s0  }
0x18: {  	s0 =	sld [smem:$0x3F9A];
	_ =	swait.ge [sflag:s4], $0x0  }
0x19: {  	s7 =	sld [smem:$0x3F9B]  }
0x1a: {  	s8 =	sadd.s32 $0xFFFFE003, lr  }
0x1b: {  	s9 =	sadd.s32 $0xFFFFFEF7, lr;
	s5 =	simm.s32 $0xFFFFFFFF;
	p2 =	slt.u32 s8, $0xFFFFF086  }
0x1c: {  	p1 =	slt.u32 s9, $0xF7A;
	s5 =	simm.s32 @!p2 $0x0  }
0x1d: {  	s5 =	simm.s32 @p1 $0x1;
	p0 =	seq.s32 s7, s2  }
0x1e: {  	s7 =	smul.u32 @!p0 $0xF7A, s2;
	p2 =	seq.s32 @!p0 s5, $0x0  }
0x1f: {  	s9 =	smul.u32 $0xF7A, s1;
	s8 =	simm.s32 @!p0 $0x1BF5;
	p2 =	por !p2, p0  }
0x20: {  	[sflag:s8] =	ssyncset.s32 @!p0 $0xFFFFF086;
	s6 =	sadd.s32 @!p0 s3, s7;
	s7 =	simm.s32 @!p0 $0x108  }
0x21: {  	s3 =	sadd.s32 s3, s9;
	s6 =	sadd.s32 @!p0 $0x88, s6;
	s7 =	simm.s32 @p2 $0x1082  }
0x22: {  	[simem:s7], [sflag:s8] =	dma.local @!p0 [hbm:s6], $0xF7A  }
0x23: {  	s9 =	sor.u32 $0xD0000000, s2;
	s6 =	simm.s32 $0x108;
	_ =	swait.ge @!p0 [sflag:s8], $0x0  }
0x24: {  	s3 =	sadd.s32 $0x88, s3;
	s6 =	simm.s32 @!p1 $0x1082;
	[sflag:s4] =	ssyncset.s32 $0xFFFFF086  }
0x25: {  	[simem:s6], [sflag:s4] =	dma.local [hbm:s3], $0xF7A  }
0x26: {  	[smem:$0x3F9B] =	sst s1;
	(tag) =	ssettag s2;
	_ =	strace s9  }
0x27: {  	s1 =	sld [smem:$0x3FAB]  }
0x28: {  	s2 =	sld [smem:$0x3FAC]  }
0x29: {  	s4 =	sld [smem:$0x3FAE]  }
0x2a: {  	p0 =	seq.s32 s5, $0x0;
	s5 =	sld [smem:$0x3FAF]  }
0x2b: {  	s6 =	sld [smem:$0x3FB0]  }
0x2c: {  	s7 =	sld [smem:$0x3FB1]  }
0x2d: {  	s3 =	simm.s32 $0x108;
	s8 =	sld [smem:$0x3FB2]  }
0x2e: {  	s3 =	simm.s32 @!p0 $0x1082;
	s9 =	sld [smem:$0x3FB3]  }
0x2f: {  	lr =	sadd.s32 s0, s3;
	s0 =	sld [smem:$0x3FAA]  }
0x30: {  	s3 =	sld [smem:$0x3FAD]  }
0x31: {  	[smem:$0x3FB6] =	sst s10  }
0x32: {  	s10 =	sld [smem:$0x3FB4];
	_ =	sdelay $0x3  }
0x33: {  	p0 =	seq.s32 s10, $0x1;
	s10 =	sld [smem:$0x3FB6];
	_ =	sdelay $0x3  }
0x34: {  	[smem:$0x3FB6] =	sst s10  }
0x35: {  	s10 =	sld [smem:$0x3FB5];
	_ =	sdelay $0x3  }
0x36: {  	p1 =	seq.s32 s10, $0x1;
	s10 =	sld [smem:$0x3FB6];
	_ =	sdelay $0x3  }
0x37: {  	[smem:$0x3FB6] =	sst s10  }
0x38: {  	s10 =	sld [smem:$0x3FB7]  }
0x39: {  	_ = 	snop;
	(pc) =	sbr.ind lr, $3  }
0x3a: {  	_ = 	snop  }
0x3b: {  	_ = 	snop  }
0x3c: {  	p2 =	seq.s32 s10, $0x1;
	s10 =	sld [smem:$0x3FB6]  }
0x3d: {  	_ =	shalt  }
0x3e: {  	_ =	shalt  }
0x3f: {  	_ =	shalt  }
0x40: {  	_ =	shalt  }
0x41: {  	_ =	shalt  }
0x42: {  	_ =	shalt  }
0x43: {  	_ =	shalt  }
0x44: {  	_ =	shalt  }
0x45: {  	_ =	shalt  }
0x46: {  	_ =	shalt  }
0x47: {  	_ =	shalt  }
0x48: {  	_ =	shalt  }
0x49: {  	_ =	shalt  }
0x4a: {  	_ =	shalt  }
0x4b: {  	_ =	shalt  }
0x4c: {  	_ =	shalt  }
0x4d: {  	_ =	shalt  }
0x4e: {  	_ =	shalt  }
0x4f: {  	_ =	shalt  }
0x50: {  	_ =	shalt  }
0x51: {  	_ =	shalt  }
0x52: {  	_ =	shalt  }
0x53: {  	_ =	shalt  }
0x54: {  	_ =	shalt  }
0x55: {  	_ =	shalt  }
0x56: {  	_ =	shalt  }
0x57: {  	_ =	shalt  }
0x58: {  	_ =	shalt  }
0x59: {  	_ =	shalt  }
0x5a: {  	_ =	shalt  }
0x5b: {  	_ =	shalt  }
0x5c: {  	_ =	shalt  }
0x5d: {  	_ =	shalt  }
0x5e: {  	_ =	shalt  }
0x5f: {  	_ =	shalt  }
0x60: {  	_ =	shalt  }
0x61: {  	_ =	shalt  }
0x62: {  	_ =	shalt  }
0x63: {  	_ =	shalt  }
0x64: {  	_ =	shalt  }
0x65: {  	_ =	shalt  }
0x66: {  	_ =	shalt  }
0x67: {  	_ =	shalt  }
0x68: {  	_ =	shalt  }
0x69: {  	_ =	shalt  }
0x6a: {  	_ =	shalt  }
0x6b: {  	_ =	shalt  }
0x6c: {  	_ =	shalt  }
0x6d: {  	_ =	shalt  }
0x6e: {  	_ =	shalt  }
0x6f: {  	_ =	shalt  }
0x70: {  	_ =	shalt  }
0x71: {  	_ =	shalt  }
0x72: {  	_ =	shalt  }
0x73: {  	_ =	shalt  }
0x74: {  	_ =	shalt  }
0x75: {  	_ =	shalt  }
0x76: {  	_ =	shalt  }
0x77: {  	_ =	shalt  }
0x78: {  	_ =	shalt  }
0x79: {  	_ =	shalt  }
0x7a: {  	_ =	shalt  }
0x7b: {  	_ =	shalt  }
0x7c: {  	_ =	shalt  }
0x7d: {  	_ =	shalt  }
0x7e: {  	_ =	shalt  }
0x7f: {  	_ =	shalt  }
0x80: {  	_ =	shalt  }
0x81: {  	_ =	shalt  }
0x82: {  	_ =	shalt  }
0x83: {  	_ =	shalt  }
0x84: {  	_ =	shalt  }
0x85: {  	_ =	shalt  }
0x86: {  	_ =	shalt  }
0x87: {  	_ =	shalt  }
.Lfunc_end0:
.L_simem_size_0:
called_computation.1_lowered:
.L_overlay_start_0:
0x88: {  	s2 =	sld [smem:$0x3FD9]  }
0x89: {  	s3 =	sld [smem:$0x3FFE];
	_ =	sdelay $0x1  }
0x8a: {  	s1 =	srdreg.scid  }
0x8b: {  	s0 =	sand.u32 $0x1, s1  }
0x8c: {  	s17 =	sshll.u32 s0, $0xA;
	s2 =	sadd.s32 s3, s2  }
0x8d: {  	s2 =	sadd.s32 s2, s17  }
0x8e: {  	[smem:$0x3FC2] =	sst s2  }
0x8f: {  	_ = 	snop  }
0x90: {  	s2 =	sld [smem:$0x3FD0];
	(tm) =	ssettm $0x1  }
0x91: {  	s18 =	sld [smem:$0x3FFB];
	_ =	sdelay $0x3  }
0x92: {  	_ =	strace s18  }
0x93: {  	s3 =	sld [smem:$0x3FFC];
	_ =	sdelay $0x3  }
0x94: {  	_ =	strace s3  }
0x95: {  	s3 =	sld [smem:$0x3FFD];
	_ =	sdelay $0x3  }
0x96: {  	_ =	strace s3  }
0x97: {  	_ =	strace $0x8FFFFFFF  }
0x98: {  	s19 =	sld [smem:$0x3FDB];
	_ =	sdelay $0x1  }
0x99: {  	s4 =	simm.s32 $_scs_section_size  }
0x9a: {  	s5 =	simm.s32 $_size__tile_overlayer_lowered;
	s6 =	simm.s32 $_tile_overlayer_lowered  }
0x9b: {  	s22 =	simm.s32 $0x1BFF;
	s21 =	sshll.u32 s6, $0x1;
	s3 =	sadd.s32 s4, s19  }
0x9c: {  	s7 =	simm.s32 $0x0;
	s20 =	sshll.u32 s5, $0x1;
	s5 =	sadd.s32 s21, s3  }
0x9d: {  	[timem:s7], [sflag:s22] =	dma.local [hbm:s5], s20  }
0x9e: {  	_ =	swait.ge [sflag:s22], s20  }
0x9f: {  	s4 =	ssub.s32 $0x0, s20;
	[sflag:s22] =	ssyncset.done $0x0  }
0xa0: {  	[sflag:s22] =	ssyncadd.s32 s4;
	_ =	sdelay $0x1  }
0xa1: {  	s23 =	simm.s32 $0x1B8B  }
0xa2: {  	_ =	swait.ge [sflag:s23], $0x1  }
0xa3: {  	[sflag:s23] =	ssyncset.done $0x0  }
0xa4: {  	s25 =	simm.s32 $0x1B8E;
	s24 =	sld [smem:$0x3FFE];
	[sflag:s23] =	ssyncadd.s32 $0xFFFFFFFF  }
0xa5: {  	s26 =	simm.s32 $execute0_lowered;
	[smem:$0x3FD2] =	sst s25  }
0xa6: {  	s5 =	sshll.u32 s26, $0x1;
	_ =	strace $0x80000049;
	[dreg:$0x1] =	wrdreg $0xFFFFFFFF  }
0xa7: {  	s28 =	simm.s32 $_size_execute0_lowered;
	s3 =	sadd.s32 s3, s5;
	[dreg:$0x0] =	wrdreg $0x0  }
0xa8: {  	s5 =	sshll.u32 s28, $0x1;
	[dreg:$0x2] =	wrdreg s3  }
0xa9: {  	[dreg:$0x3] =	wrdreg s5  }
0xaa: {  	[dreg:$0x4] =	wrdreg $0xC0  }
0xab: {  	_ =	task [dreg:s7], $0x5FFFF  }
0xac: {  	[dreg:$0x1] =	wrdreg $0xFFFFFFFF  }
0xad: {  	[dreg:$0x0] =	wrdreg $0x60  }
0xae: {  	[dreg:$0x2] =	wrdreg s24  }
0xaf: {  	[dreg:$0x3] =	wrdreg s2  }
0xb0: {  	[dreg:$0x4] =	wrdreg $0xA2000  }
0xb1: {  	[dreg:$0x5] =	wrdreg $0x9  }
0xb2: {  	_ =	task.clear_ibuf [dreg:s7], $0x6FFFF;
	_ =	strace $0x90000049  }
0xb3: {  	s29 =	simm.s32 $0x9;
	_ =	strace $0x8000004B  }
0xb4: {  	_ =	swait.ge [sflag:s29], $0x1  }
0xb5: {  	[sflag:s29] =	ssyncadd.s32 $0xFFFFFFFF  }
0xb6: {  	_ =	strace $0x9000004B  }
0xb7: {  	_ =	sfence  }
0xb8: {  	s30 =	sld [smem:$0x0];
	_ =	sdelay $0x2  }
0xb9: {  	s31 =	sshll.u32 s1, $0xD;
	s1 =	sshrl.u32 s1, $0x2  }
0xba: {  	s3 =	sand.u32 $0x4000, s31;
	s1 =	sadd.s32 s1, s30  }
0xbb: {  	s0 =	sor.u32 s3, s0;
	s1 =	sshll.u32 s1, $0x11  }
0xbc: {  	s0 =	sor.u32 s1, s0  }
0xbd: {  	s0 =	sadd.s32 $0x8F2B, s0  }
0xbe: {  	[sflag:s0] =	ssyncadd.remote.s32 $0x1  }
0xbf: {  	_ =	sfence.sel $0xFFFF  }
0xc0: {  	[dreg:$0x0] =	wrdreg $0xFFFFFFFF;
	(pc) =	sbr.abs _section_cstart, $3  }
0xc1: {  	[dreg:$0x1] =	wrdreg $0xFFFFFFFF  }
0xc2: {  	_ =	task.clear_ibuf [dreg:s7], $0x2FFFF;
	_ =	strace $0x9FFFFFFF  }
0xc3: {  	(tm) =	ssettm $0x7FFFFFFF  }
tec
execute0_lowered:
.L_overlay_start_1:
0x0: {  	(tag) =	ssettag $0x1  }
0x1: {  	s0 =	rddreg [dreg:$0x0]  }
0x2: {  	s1 =	rddreg [dreg:$0x1]  }
0x3: {  	s2 =	rddreg [dreg:$0x2];
	s3 =	srdreg.scid;
	s4 =	simm.s32 $0x0  }
0x4: {  	s11 =	stileid.u32;
	s28 =	simm.s32 $0x100;
	s29 =	simm.s32 $0x2  }
0x5: {  	s30 =	simm.s32 $0x6200;
	s31 =	simm.s32 $0x4;
	s7 =	smul.u32 $0x14000, s11  }
0x6: {  	s3 =	sand.u32 $0x1, s3;
	[smem:$0x7FF] =	sst s4;
	s9 =	smul.u32 $0x50000, s11  }
0x7: {  	s14 =	sadd.s32 $0x10E00, s0;
	s8 =	sshll.u32 s11, $0x9;
	s5 =	smul.u32 $0x140000, s3  }
0x8: {  	s20 =	sshll.u32 s11, $0x6;
	s6 =	smul.u32 $0xFFFFFF98, s3;
	_ =	strace $0x8000004A  }
0x9: {  	s10 =	sadd.s32 s8, s0;
	s17 =	ssub.s32 $0x2, s3;
	p0 =	seq.s32 s3, $0x1  }
0xa: {  	s3 =	simm.s32 $0x0;
	s18 =	sshrl.u32 s17, $0x1;
	s19 =	sshrl.u32 s9, $0x2  }
0xb: {  	s23 =	sadd.s32 $0xEE00, s10;
	s24 =	sadd.s32 $0xCE00, s10;
	s6 =	sadd.s32 $0x84, s6  }
0xc: {  	s5 =	sadd.s32 s7, s5;
	s12 =	ssub.s32 s17, s18;
	[dreg:$0x5] =	wrdreg s23  }
0xd: {  	s15 =	sadd.s32 s19, s2;
	[dreg:$0x6] =	wrdreg s24;
	s23 =	simm.s32 $0x1  }
0xe: {  	s24 =	simm.s32 $0x80;
	s6 =	smul.u32 s11, s6;
	s7 =	sshrl.u32 s5, $0x3  }
0xf: {  	s5 =	sadd.s32 $0x2800, s0;
	s25 =	sadd.s32 $0x4000, s15;
	s26 =	sadd.s32 $0x8000, s15  }
0x10: {  	s19 =	sadd.s32 $0xC000, s15;
	s12 =	smax.u32 s12, $0x1;
	s0 =	sadd.s32 s7, s0  }
0x11: {  	s18 =	sshrl.u32 s26, $0x3;
	s19 =	sshrl.u32 s19, $0x3;
	s26 =	simm.s32 $0x3  }
0x12: {  	s13 =	sshll.u32 s6, $0x5;
	s6 =	sor.u32 $0x1C05, s20;
	s11 =	sadd.s32 $0x24E00, s0  }
0x13: {  	s20 =	sadd.s32 $0x10000, s15;
	s15 =	sshrl.u32 s15, $0x3;
	s0 =	simm.s32 $0x180  }
.Ltmp0:
0x14: {  	s21 =	sand.u32 $0x1FFFFF80, s13;
	s16 =	sor.u32 $0x60, s13;
	(pc) =	sbr.rel .LBB2_1-.Ltmp0, $4  }
0x15: {  	s13 =	sor.u32 $0x40, s13;
	s20 =	sshrl.u32 s20, $0x3;
	s7 =	sadd.s32 s14, s21  }
0x16: {  	s16 =	sand.u32 $0x1FFFFFE0, s16;
	s17 =	sand.u32 $0x1FFFFFC0, s13;
	s22 =	sadd.s32 $0x20, s7  }
0x17: {  	s13 =	sadd.s32 s16, s14;
	s14 =	sadd.s32 s17, s14;
	s16 =	simm.s32 $0x5  }
0x18: {  	s17 =	sshrl.u32 s25, $0x3;
	s25 =	simm.s32 $0x2200;
	[dreg:$0x4] =	wrdreg s22  }
.LBB2_7:
0x19: {  	s8 =	sadd.s32 $0x200, s21;
	[sflag:s16] =	ssyncadd.s32 $0xFFFFC000  }
0x1a: {  	[tilespmem:s25], [sflag:$0x3] =	stream.indirect.gather [hbm4b:s1+s24], $0x80, s8, s24, $0xb8;
	[tilespmem:$0x1E200] =	vst v63  }
0x1b: {  	_ =	swait.ge [sflag:s26], $0x4000  }
0x1c: {  	[sflag:s26] =	ssyncset.done $0x0  }
0x1d: {  	s22 =	sadd.s32 $0x1200, s21;
	[sflag:s26] =	ssyncadd.s32 $0xFFFFC000  }
0x1e: {  	[spmem:s2] =	stream.indirect.scatter.add.f32 [tilespmem:s25], [sflag:$0x5], $0x80, s22, s24, $0xb8;
	[tilespmem:$0x1E200] =	vst v63  }
0x1f: {  	_ =	swait.ge [sflag:s16], $0x4000  }
0x20: {  	[sflag:s16] =	ssyncset.done $0x0  }
0x21: {  	[sflag:s16] =	ssyncadd.s32 $0xFFFFC000  }
.LBB2_8:
0x22: {  	s3 =	sadd.s32 $0x1, s3  }
0x23: {  	p1 =	sne.s32 s3, s12  }
.Ltmp1:
0x24: {  	[bflag:$0x0] =	sbarrier.arrive $0xFFFF;
	(pc) =	sbr.rel @!p1 .LBB2_9-.Ltmp1, $4  }
0x25: {  	[hbm:s11], [sflag:s6] =	dma.local [spmem:s15], $0x2800  }
0x26: {  	_ =	swait.ge [sflag:s16], $0x2800  }
0x27: {  	[sflag:s16] =	ssyncset.done $0x0  }
0x28: {  	[sflag:s16] =	ssyncadd.s32 $0xFFFFD800  }
.LBB2_1:
0x29: {  	[spmem:s15], [sflag:s6] =	dma.local [hbm:s5], $0x800  }
0x2a: {  	_ =	swait.ge [sflag:s16], $0x800  }
0x2b: {  	[sflag:s16] =	ssyncset.done $0x0  }
0x2c: {  	[sflag:s16] =	ssyncadd.s32 $0xFFFFF800  }
0x2d: {  	[spmem:s17], [sflag:s6] =	dma.local [hbm:s5], $0x800  }
0x2e: {  	_ =	swait.ge [sflag:s16], $0x800  }
0x2f: {  	[sflag:s16] =	ssyncset.done $0x0  }
0x30: {  	[sflag:s16] =	ssyncadd.s32 $0xFFFFF800  }
0x31: {  	[spmem:s18], [sflag:s6] =	dma.local [hbm:s5], $0x800  }
0x32: {  	_ =	swait.ge [sflag:s16], $0x800  }
0x33: {  	[sflag:s16] =	ssyncset.done $0x0  }
0x34: {  	[sflag:s16] =	ssyncadd.s32 $0xFFFFF800  }
0x35: {  	[spmem:s19], [sflag:s6] =	dma.local [hbm:s5], $0x800  }
0x36: {  	_ =	swait.ge [sflag:s16], $0x800  }
0x37: {  	[sflag:s16] =	ssyncset.done $0x0  }
0x38: {  	[sflag:s16] =	ssyncadd.s32 $0xFFFFF800  }
0x39: {  	[spmem:s20], [sflag:s6] =	dma.local [hbm:s5], $0x800  }
.Ltmp2:
0x3a: {  	_ =	swait.ge [sflag:s16], $0x800;
	(pc) =	sbr.rel @!p0 .LBB2_2-.Ltmp2, $3  }
0x3b: {  	[sflag:s16] =	ssyncset.done $0x0  }
0x3c: {  	[sflag:s16] =	ssyncadd.s32 $0xFFFFF800  }
0x3d: {  	[bflag:$0x0] =	sbarrier.arrive $0xFFFF;
	_ =	sdelay $0x1  }
0x3e: {  	s8 =	simm.s32 $0x0;
	s9 =	rddreg [dreg:$0x5];
	s10 =	simm.s32 $0x200  }
0x3f: {  	[tilespmem:s10], [sflag:$0x1] =	stream.linear.gather [hbm4b:s9+s8], $0xE00, $0x38;
	[tilespmem:$0x1E200] =	vst v63  }
0x40: {  	s21 =	rddreg [dreg:$0x6];
	s22 =	simm.s32 $0x1200  }
0x41: {  	[tilespmem:s22], [sflag:$0x1] =	stream.linear.gather [hbm4b:s21+s8], $0xE00, $0x38;
	[tilespmem:$0x1E200] =	vst v63  }
0x42: {  	_ =	swait.ge [sflag:s23], $0xE00  }
0x43: {  	[sflag:s23] =	ssyncset.done $0x0  }
0x44: {  	[sflag:s23] =	ssyncadd.s32 $0xFFFFF200  }
0x45: {  	_ =	swait.ge [sflag:s23], $0xE00  }
0x46: {  	[sflag:s23] =	ssyncset.done $0x0  }
0x47: {  	s21 =	simm.s32 $0x200;
	[sflag:s23] =	ssyncadd.s32 $0xFFFFF200  }
0x48: {  	[tilespmem:s25], [sflag:$0x3] =	stream.indirect.gather [hbm4b:s1+s24], $0x80, s21, s24, $0xb8;
	[tilespmem:$0x1E200] =	vst v63  }
0x49: {  	_ =	swait.ge [sflag:s26], $0x4000  }
0x4a: {  	[sflag:s26] =	ssyncset.done $0x0  }
0x4b: {  	s22 =	simm.s32 $0x1200;
	[sflag:s26] =	ssyncadd.s32 $0xFFFFC000  }
0x4c: {  	[spmem:s2] =	stream.indirect.scatter.add.f32 [tilespmem:s25], [sflag:$0x5], $0x80, s22, s24, $0xb8;
	[tilespmem:$0x1E200] =	vst v63  }
0x4d: {  	_ =	swait.ge [sflag:s16], $0x4000  }
0x4e: {  	s21 =	simm.s32 $0x80;
	s22 =	simm.s32 $0x400;
	[sflag:s16] =	ssyncset.done $0x0  }
.LBB2_6:
0x4f: {  	s8 =	sadd.s32 $0x200, s21  }
0x50: {  	[sflag:s16] =	ssyncadd.s32 $0xFFFFC000;
	s9 =	smov.u32 s22;
	s10 =	sadd.s32 $0x200, s22  }
0x51: {  	[tilespmem:s25], [sflag:$0x3] =	stream.indirect.gather [hbm4b:s1+s24], $0x80, s8, s24, $0xb8;
	[tilespmem:$0x1E200] =	vst v63  }
0x52: {  	p1 =	sne.s32 s22, $0x3600;
	_ =	swait.ge [sflag:s26], $0x4000  }
.Ltmp3:
0x53: {  	[sflag:s26] =	ssyncset.done $0x0;
	(pc) =	sbr.rel @p1 .LBB2_6-.Ltmp3, $4  }
0x54: {  	s8 =	sadd.s32 $0x1200, s21;
	[sflag:s26] =	ssyncadd.s32 $0xFFFFC000  }
0x55: {  	[spmem:s2] =	stream.indirect.scatter.add.f32 [tilespmem:s25], [sflag:$0x5], $0x80, s8, s24, $0xb8;
	[tilespmem:$0x1E200] =	vst v63  }
0x56: {  	_ =	swait.ge [sflag:s16], $0x4000  }
0x57: {  	s21 =	sshra.s32 s9, $0x2;
	s22 =	smov.u32 s10;
	[sflag:s16] =	ssyncset.done $0x0  }
.Ltmp4:
0x58: {  	_ = 	snop;
	(pc) =	sbr.rel .LBB2_7-.Ltmp4, $1  }
0x59: {  	_ =	sdelay $0x3  }
.LBB2_2:
0x5a: {  	s21 =	simm.s32 $0x0  }
0x5b: {  	[tilespmem:s21], [sflag:$0x1] =	stream.linear.gather [hbm4b:s7+s21], $0x100, $0x38;
	[tilespmem:$0x1E200] =	vst v63  }
0x5c: {  	_ =	swait.ge [sflag:s23], $0x100  }
0x5d: {  	[sflag:s23] =	ssyncset.done $0x0  }
0x5e: {  	[sflag:s23] =	ssyncadd.s32 $0xFFFFFF00  }
0x5f: {  	[tilespmem:s25], [sflag:$0x3] =	stream.indirect.gather [hbm4b:s1+s24], $0x80, s21, s24, $0xb8;
	[tilespmem:$0x1E200] =	vst v63  }
0x60: {  	s8 =	rddreg [dreg:$0x4]  }
0x61: {  	[tilespmem:s28], [sflag:$0x2] =	stream.linear.gather [hbm4b:s8+s21], $0x100, $0x38;
	[tilespmem:$0x1E200] =	vst v63  }
0x62: {  	_ =	swait.ge [sflag:s26], $0x4000  }
0x63: {  	[sflag:s26] =	ssyncset.done $0x0  }
0x64: {  	[sflag:s26] =	ssyncadd.s32 $0xFFFFC000  }
0x65: {  	_ =	swait.ge [sflag:s29], $0x100  }
0x66: {  	[sflag:s29] =	ssyncset.done $0x0  }
0x67: {  	[sflag:s29] =	ssyncadd.s32 $0xFFFFFF00  }
0x68: {  	[tilespmem:s30], [sflag:$0x4] =	stream.indirect.gather [hbm4b:s1+s24], $0x80, s28, s24, $0xb8;
	[tilespmem:$0x1E200] =	vst v63  }
0x69: {  	_ = 	snop  }
0x6a: {  	[spmem:s2] =	stream.indirect.scatter.add.f32 [tilespmem:s25], [sflag:$0x5], $0x80, s24, s24, $0xb8;
	[tilespmem:$0x1E200] =	vst v63  }
0x6b: {  	_ =	swait.ge [sflag:s16], $0x4000  }
0x6c: {  	[sflag:s16] =	ssyncset.done $0x0  }
0x6d: {  	s22 =	sadd.s32 $0x0, s14;
	[sflag:s16] =	ssyncadd.s32 $0xFFFFC000  }
0x6e: {  	[tilespmem:s4], [sflag:$0x1] =	stream.linear.gather [hbm4b:s22+s4], $0x100, $0x38;
	[tilespmem:$0x1E200] =	vst v63  }
0x6f: {  	_ =	swait.ge [sflag:s31], $0x4000  }
0x70: {  	[sflag:s31] =	ssyncset.done $0x0  }
0x71: {  	[sflag:s31] =	ssyncadd.s32 $0xFFFFC000  }
0x72: {  	_ =	swait.ge [sflag:s23], $0x100  }
0x73: {  	[sflag:s23] =	ssyncset.done $0x0  }
0x74: {  	[sflag:s23] =	ssyncadd.s32 $0xFFFFFF00  }
0x75: {  	[tilespmem:s25], [sflag:$0x3] =	stream.indirect.gather [hbm4b:s1+s24], $0x80, s4, s24, $0xb8;
	[tilespmem:$0x1E200] =	vst v63  }
0x76: {  	_ = 	snop  }
0x77: {  	[spmem:s2] =	stream.indirect.scatter.add.f32 [tilespmem:s30], [sflag:$0x5], $0x80, s0, s24, $0xb8;
	[tilespmem:$0x1E200] =	vst v63  }
0x78: {  	_ =	swait.ge [sflag:s16], $0x4000  }
0x79: {  	[sflag:s16] =	ssyncset.done $0x0  }
0x7a: {  	s21 =	simm.s32 $0x40;
	s22 =	sadd.s32 $0x0, s13;
	[sflag:s16] =	ssyncadd.s32 $0xFFFFC000  }
.LBB2_3:
0x7b: {  	[tilespmem:s28], [sflag:$0x2] =	stream.linear.gather [hbm4b:s22+s4], $0x100, $0x38;
	[tilespmem:$0x1E200] =	vst v63  }
0x7c: {  	s22 =	smov.u32 s21  }
0x7d: {  	p1 =	sne.s32 s21, $0x1000;
	s21 =	sadd.s32 $0x40, s21;
	_ =	swait.ge [sflag:s26], $0x4000  }
0x7e: {  	[sflag:s26] =	ssyncset.done $0x0  }
0x7f: {  	[sflag:s26] =	ssyncadd.s32 $0xFFFFC000  }
0x80: {  	_ =	swait.ge [sflag:s29], $0x100  }
0x81: {  	[sflag:s29] =	ssyncset.done $0x0  }
0x82: {  	[sflag:s29] =	ssyncadd.s32 $0xFFFFFF00  }
0x83: {  	[tilespmem:s30], [sflag:$0x4] =	stream.indirect.gather [hbm4b:s1+s24], $0x80, s28, s24, $0xb8;
	[tilespmem:$0x1E200] =	vst v63  }
0x84: {  	_ = 	snop  }
0x85: {  	[spmem:s2] =	stream.indirect.scatter.add.f32 [tilespmem:s25], [sflag:$0x5], $0x80, s24, s24, $0xb8;
	[tilespmem:$0x1E200] =	vst v63  }
0x86: {  	_ =	swait.ge [sflag:s16], $0x4000  }
0x87: {  	[sflag:s16] =	ssyncset.done $0x0  }
0x88: {  	s8 =	sadd.s32 s22, s14;
	[sflag:s16] =	ssyncadd.s32 $0xFFFFC000  }
0x89: {  	[tilespmem:s4], [sflag:$0x1] =	stream.linear.gather [hbm4b:s8+s4], $0x100, $0x38;
	[tilespmem:$0x1E200] =	vst v63  }
0x8a: {  	_ =	swait.ge [sflag:s31], $0x4000  }
0x8b: {  	[sflag:s31] =	ssyncset.done $0x0  }
0x8c: {  	[sflag:s31] =	ssyncadd.s32 $0xFFFFC000  }
0x8d: {  	_ =	swait.ge [sflag:s23], $0x100  }
0x8e: {  	[sflag:s23] =	ssyncset.done $0x0  }
0x8f: {  	[sflag:s23] =	ssyncadd.s32 $0xFFFFFF00  }
0x90: {  	[tilespmem:s25], [sflag:$0x3] =	stream.indirect.gather [hbm4b:s1+s24], $0x80, s4, s24, $0xb8;
	[tilespmem:$0x1E200] =	vst v63  }
.Ltmp5:
0x91: {  	(pc) =	sbr.rel @p1 .LBB2_3-.Ltmp5, $4  }
0x92: {  	[spmem:s2] =	stream.indirect.scatter.add.f32 [tilespmem:s30], [sflag:$0x5], $0x80, s0, s24, $0xb8;
	[tilespmem:$0x1E200] =	vst v63  }
0x93: {  	_ =	swait.ge [sflag:s16], $0x4000  }
0x94: {  	[sflag:s16] =	ssyncset.done $0x0  }
0x95: {  	s22 =	sadd.s32 s22, s13;
	[sflag:s16] =	ssyncadd.s32 $0xFFFFC000  }
0x96: {  	[tilespmem:s28], [sflag:$0x2] =	stream.linear.gather [hbm4b:s22+s4], $0x100, $0x38;
	[tilespmem:$0x1E200] =	vst v63  }
0x97: {  	_ =	swait.ge [sflag:s26], $0x4000  }
0x98: {  	[sflag:s26] =	ssyncset.done $0x0  }
0x99: {  	[sflag:s26] =	ssyncadd.s32 $0xFFFFC000  }
0x9a: {  	_ =	swait.ge [sflag:s29], $0x100  }
0x9b: {  	[sflag:s29] =	ssyncset.done $0x0  }
0x9c: {  	[sflag:s29] =	ssyncadd.s32 $0xFFFFFF00  }
0x9d: {  	[tilespmem:s30], [sflag:$0x4] =	stream.indirect.gather [hbm4b:s1+s24], $0x80, s28, s24, $0xb8;
	[tilespmem:$0x1E200] =	vst v63  }
0x9e: {  	_ = 	snop  }
0x9f: {  	[spmem:s2] =	stream.indirect.scatter.add.f32 [tilespmem:s25], [sflag:$0x5], $0x80, s24, s24, $0xb8;
	[tilespmem:$0x1E200] =	vst v63  }
0xa0: {  	_ =	swait.ge [sflag:s16], $0x4000  }
0xa1: {  	[sflag:s16] =	ssyncset.done $0x0  }
0xa2: {  	[sflag:s16] =	ssyncadd.s32 $0xFFFFC000  }
0xa3: {  	_ =	swait.ge [sflag:s31], $0x4000  }
0xa4: {  	[sflag:s31] =	ssyncset.done $0x0  }
.Ltmp6:
0xa5: {  	[sflag:s31] =	ssyncadd.s32 $0xFFFFC000;
	(pc) =	sbr.rel .LBB2_8-.Ltmp6, $4  }
0xa6: {  	[spmem:s2] =	stream.indirect.scatter.add.f32 [tilespmem:s30], [sflag:$0x5], $0x80, s0, s24, $0xb8;
	[tilespmem:$0x1E200] =	vst v63  }
0xa7: {  	_ =	swait.ge [sflag:s16], $0x4000  }
0xa8: {  	[sflag:s16] =	ssyncset.done $0x0  }
0xa9: {  	[sflag:s16] =	ssyncadd.s32 $0xFFFFC000  }
.LBB2_9:
0xaa: {  	_ =	sfence.sel $0x180000  }
0xab: {  	[bflag:$0x0] =	sbarrier.arrive $0xFFFF  }
0xac: {  	_ =	strace $0x9000004A  }
0xad: {  	s0 =	stileid.u32;
	[bflag:$0x2] =	sbarrier.arrive $0xFFFF  }
0xae: {  	p0 =	sne.s32 s0, $0x0;
	s0 =	rddreg [dreg:$0x3]  }
0xaf: {  	s0 =	sadd.s32 @!p0 $0x100000, s0  }
0xb0: {  	[sflag:s0] =	ssyncadd.tile.s32 @!p0 $0x1;
	_ =	shalt  }
.Lfunc_end2:
_tile_overlayer_lowered:
.L_overlay_start_2:
0xb1: {  	(tag) =	ssettag $0x2  }
0xb2: {  	s0 =	rddreg [dreg:$0x0];
	s2 =	stileid.u32  }
0xb3: {  	s1 =	rddreg [dreg:$0x1];
	p0 =	sne.s32 s2, $0x0  }
0xb4: {  	s3 =	rddreg [dreg:$0x2];
	[bflag:$0x3] =	sbarrier.arrive $0xFFFF;
	s2 =	simm.s32 @!p0 $0x1C05  }
0xb5: {  	[timem:s3], [sflag:s2] =	dma.local @!p0 [hbm:s0], s1  }
0xb6: {  	s0 =	simm.s32 @!p0 $0x5  }
0xb7: {  	_ =	swait.ge @!p0 [sflag:s0], s1  }
0xb8: {  	s1 =	ssub.s32 @!p0 $0x0, s1;
	[sflag:s0] =	ssyncset.done @!p0 $0x0  }
0xb9: {  	[sflag:s0] =	ssyncadd.s32 @!p0 s1  }
0xba: {  	[bflag:$0x3] =	sbarrier.arrive $0xFFFF  }
0xbb: {  	_ =	shalt  }

// kernel: kernel.16.cloned.1.call-start
scs
__scs_entry_jumppad:
0x0: {  	(pc) =	sbr.rel $0x88, $3  }
0x1: {  	(tag) =	ssettag $0x0;
	lr =	simm.s32 $0x1  }
0x2: {  	[smem:$0x3F9B] =	sst lr;
	_ =	strace $0xD0000000  }
0x3: {  	_ = 	snop  }
0x4: {  	_ = 	snop  }
0x5: {  	_ = 	snop  }
0x6: {  	_ = 	snop  }
0x7: {  	_ = 	snop  }
__scs_overlays_trampoline_lowered:
0x8: {  	[smem:$0x3FAA] =	sst s0  }
0x9: {  	[smem:$0x3FAB] =	sst s1  }
0xa: {  	[smem:$0x3FAC] =	sst s2  }
0xb: {  	[smem:$0x3FAD] =	sst s3  }
0xc: {  	[smem:$0x3FAE] =	sst s4  }
0xd: {  	[smem:$0x3FAF] =	sst s5  }
0xe: {  	[smem:$0x3FB0] =	sst s6  }
0xf: {  	[smem:$0x3FB1] =	sst s7  }
0x10: {  	[smem:$0x3FB2] =	sst s8  }
0x11: {  	[smem:$0x3FB3] =	sst s9;
	s0 =	simm.s32 @!p0 $0x0  }
0x12: {  	s1 =	sld [smem:$0x3F99];
	s0 =	simm.s32 @p0 $0x1  }
0x13: {  	[smem:$0x3FB4] =	sst s0;
	s0 =	simm.s32 @!p1 $0x0  }
0x14: {  	s2 =	sld [smem:$0x3F98];
	s0 =	simm.s32 @p1 $0x1  }
0x15: {  	[smem:$0x3FB5] =	sst s0;
	s0 =	simm.s32 @!p2 $0x0  }
0x16: {  	s3 =	sld [smem:$0x3FDB];
	s0 =	simm.s32 @p2 $0x1  }
0x17: {  	s4 =	simm.s32 $0x1BF5;
	[smem:$0x3FB7] =	sst s0  }
0x18: {  	s0 =	sld [smem:$0x3F9A];
	_ =	swait.ge [sflag:s4], $0x0  }
0x19: {  	s7 =	sld [smem:$0x3F9B]  }
0x1a: {  	s8 =	sadd.s32 $0xFFFFE003, lr  }
0x1b: {  	s9 =	sadd.s32 $0xFFFFFEF7, lr;
	s5 =	simm.s32 $0xFFFFFFFF;
	p2 =	slt.u32 s8, $0xFFFFF086  }
0x1c: {  	p1 =	slt.u32 s9, $0xF7A;
	s5 =	simm.s32 @!p2 $0x0  }
0x1d: {  	s5 =	simm.s32 @p1 $0x1;
	p0 =	seq.s32 s7, s2  }
0x1e: {  	s7 =	smul.u32 @!p0 $0xF7A, s2;
	p2 =	seq.s32 @!p0 s5, $0x0  }
0x1f: {  	s9 =	smul.u32 $0xF7A, s1;
	s8 =	simm.s32 @!p0 $0x1BF5;
	p2 =	por !p2, p0  }
0x20: {  	[sflag:s8] =	ssyncset.s32 @!p0 $0xFFFFF086;
	s6 =	sadd.s32 @!p0 s3, s7;
	s7 =	simm.s32 @!p0 $0x108  }
0x21: {  	s3 =	sadd.s32 s3, s9;
	s6 =	sadd.s32 @!p0 $0x88, s6;
	s7 =	simm.s32 @p2 $0x1082  }
0x22: {  	[simem:s7], [sflag:s8] =	dma.local @!p0 [hbm:s6], $0xF7A  }
0x23: {  	s9 =	sor.u32 $0xD0000000, s2;
	s6 =	simm.s32 $0x108;
	_ =	swait.ge @!p0 [sflag:s8], $0x0  }
0x24: {  	s3 =	sadd.s32 $0x88, s3;
	s6 =	simm.s32 @!p1 $0x1082;
	[sflag:s4] =	ssyncset.s32 $0xFFFFF086  }
0x25: {  	[simem:s6], [sflag:s4] =	dma.local [hbm:s3], $0xF7A  }
0x26: {  	[smem:$0x3F9B] =	sst s1;
	(tag) =	ssettag s2;
	_ =	strace s9  }
0x27: {  	s1 =	sld [smem:$0x3FAB]  }
0x28: {  	s2 =	sld [smem:$0x3FAC]  }
0x29: {  	s4 =	sld [smem:$0x3FAE]  }
0x2a: {  	p0 =	seq.s32 s5, $0x0;
	s5 =	sld [smem:$0x3FAF]  }
0x2b: {  	s6 =	sld [smem:$0x3FB0]  }
0x2c: {  	s7 =	sld [smem:$0x3FB1]  }
0x2d: {  	s3 =	simm.s32 $0x108;
	s8 =	sld [smem:$0x3FB2]  }
0x2e: {  	s3 =	simm.s32 @!p0 $0x1082;
	s9 =	sld [smem:$0x3FB3]  }
0x2f: {  	lr =	sadd.s32 s0, s3;
	s0 =	sld [smem:$0x3FAA]  }
0x30: {  	s3 =	sld [smem:$0x3FAD]  }
0x31: {  	[smem:$0x3FB6] =	sst s10  }
0x32: {  	s10 =	sld [smem:$0x3FB4];
	_ =	sdelay $0x3  }
0x33: {  	p0 =	seq.s32 s10, $0x1;
	s10 =	sld [smem:$0x3FB6];
	_ =	sdelay $0x3  }
0x34: {  	[smem:$0x3FB6] =	sst s10  }
0x35: {  	s10 =	sld [smem:$0x3FB5];
	_ =	sdelay $0x3  }
0x36: {  	p1 =	seq.s32 s10, $0x1;
	s10 =	sld [smem:$0x3FB6];
	_ =	sdelay $0x3  }
0x37: {  	[smem:$0x3FB6] =	sst s10  }
0x38: {  	s10 =	sld [smem:$0x3FB7]  }
0x39: {  	_ = 	snop;
	(pc) =	sbr.ind lr, $3  }
0x3a: {  	_ = 	snop  }
0x3b: {  	_ = 	snop  }
0x3c: {  	p2 =	seq.s32 s10, $0x1;
	s10 =	sld [smem:$0x3FB6]  }
0x3d: {  	_ =	shalt  }
0x3e: {  	_ =	shalt  }
0x3f: {  	_ =	shalt  }
0x40: {  	_ =	shalt  }
0x41: {  	_ =	shalt  }
0x42: {  	_ =	shalt  }
0x43: {  	_ =	shalt  }
0x44: {  	_ =	shalt  }
0x45: {  	_ =	shalt  }
0x46: {  	_ =	shalt  }
0x47: {  	_ =	shalt  }
0x48: {  	_ =	shalt  }
0x49: {  	_ =	shalt  }
0x4a: {  	_ =	shalt  }
0x4b: {  	_ =	shalt  }
0x4c: {  	_ =	shalt  }
0x4d: {  	_ =	shalt  }
0x4e: {  	_ =	shalt  }
0x4f: {  	_ =	shalt  }
0x50: {  	_ =	shalt  }
0x51: {  	_ =	shalt  }
0x52: {  	_ =	shalt  }
0x53: {  	_ =	shalt  }
0x54: {  	_ =	shalt  }
0x55: {  	_ =	shalt  }
0x56: {  	_ =	shalt  }
0x57: {  	_ =	shalt  }
0x58: {  	_ =	shalt  }
0x59: {  	_ =	shalt  }
0x5a: {  	_ =	shalt  }
0x5b: {  	_ =	shalt  }
0x5c: {  	_ =	shalt  }
0x5d: {  	_ =	shalt  }
0x5e: {  	_ =	shalt  }
0x5f: {  	_ =	shalt  }
0x60: {  	_ =	shalt  }
0x61: {  	_ =	shalt  }
0x62: {  	_ =	shalt  }
0x63: {  	_ =	shalt  }
0x64: {  	_ =	shalt  }
0x65: {  	_ =	shalt  }
0x66: {  	_ =	shalt  }
0x67: {  	_ =	shalt  }
0x68: {  	_ =	shalt  }
0x69: {  	_ =	shalt  }
0x6a: {  	_ =	shalt  }
0x6b: {  	_ =	shalt  }
0x6c: {  	_ =	shalt  }
0x6d: {  	_ =	shalt  }
0x6e: {  	_ =	shalt  }
0x6f: {  	_ =	shalt  }
0x70: {  	_ =	shalt  }
0x71: {  	_ =	shalt  }
0x72: {  	_ =	shalt  }
0x73: {  	_ =	shalt  }
0x74: {  	_ =	shalt  }
0x75: {  	_ =	shalt  }
0x76: {  	_ =	shalt  }
0x77: {  	_ =	shalt  }
0x78: {  	_ =	shalt  }
0x79: {  	_ =	shalt  }
0x7a: {  	_ =	shalt  }
0x7b: {  	_ =	shalt  }
0x7c: {  	_ =	shalt  }
0x7d: {  	_ =	shalt  }
0x7e: {  	_ =	shalt  }
0x7f: {  	_ =	shalt  }
0x80: {  	_ =	shalt  }
0x81: {  	_ =	shalt  }
0x82: {  	_ =	shalt  }
0x83: {  	_ =	shalt  }
0x84: {  	_ =	shalt  }
0x85: {  	_ =	shalt  }
0x86: {  	_ =	shalt  }
0x87: {  	_ =	shalt  }
.Lfunc_end0:
.L_simem_size_0:
called_computation.2_lowered:
.L_overlay_start_0:
0x88: {  	s2 =	sld [smem:$0x3FD9]  }
0x89: {  	s3 =	sld [smem:$0x3FFE];
	_ =	sdelay $0x1  }
0x8a: {  	s1 =	srdreg.scid  }
0x8b: {  	s0 =	sand.u32 $0x1, s1  }
0x8c: {  	s17 =	sshll.u32 s0, $0xA;
	s2 =	sadd.s32 s3, s2  }
0x8d: {  	s2 =	sadd.s32 s2, s17  }
0x8e: {  	[smem:$0x3FC2] =	sst s2  }
0x8f: {  	_ = 	snop  }
0x90: {  	s2 =	sld [smem:$0x3FD0];
	(tm) =	ssettm $0x1  }
0x91: {  	s18 =	sld [smem:$0x3FFB];
	_ =	sdelay $0x3  }
0x92: {  	_ =	strace s18  }
0x93: {  	s3 =	sld [smem:$0x3FFC];
	_ =	sdelay $0x3  }
0x94: {  	_ =	strace s3  }
0x95: {  	s3 =	sld [smem:$0x3FFD];
	_ =	sdelay $0x3  }
0x96: {  	_ =	strace s3  }
0x97: {  	_ =	strace $0x8FFFFFFF  }
0x98: {  	s19 =	sld [smem:$0x3FDB];
	_ =	sdelay $0x1  }
0x99: {  	s4 =	simm.s32 $_scs_section_size  }
0x9a: {  	s5 =	simm.s32 $_size__tile_overlayer_lowered;
	s6 =	simm.s32 $_tile_overlayer_lowered  }
0x9b: {  	s22 =	simm.s32 $0x1BFF;
	s21 =	sshll.u32 s6, $0x1;
	s3 =	sadd.s32 s4, s19  }
0x9c: {  	s7 =	simm.s32 $0x0;
	s20 =	sshll.u32 s5, $0x1;
	s5 =	sadd.s32 s21, s3  }
0x9d: {  	[timem:s7], [sflag:s22] =	dma.local [hbm:s5], s20  }
0x9e: {  	_ =	swait.ge [sflag:s22], s20  }
0x9f: {  	s4 =	ssub.s32 $0x0, s20;
	[sflag:s22] =	ssyncset.done $0x0  }
0xa0: {  	[sflag:s22] =	ssyncadd.s32 s4;
	_ =	sdelay $0x1  }
0xa1: {  	s23 =	simm.s32 $0x1B8B  }
0xa2: {  	_ =	swait.ge [sflag:s23], $0x1  }
0xa3: {  	[sflag:s23] =	ssyncset.done $0x0  }
0xa4: {  	s25 =	simm.s32 $0x1B8E;
	s24 =	sld [smem:$0x3FFE];
	[sflag:s23] =	ssyncadd.s32 $0xFFFFFFFF  }
0xa5: {  	s26 =	simm.s32 $execute0_lowered;
	[smem:$0x3FD2] =	sst s25  }
0xa6: {  	s5 =	sshll.u32 s26, $0x1;
	_ =	strace $0x8000004C;
	[dreg:$0x1] =	wrdreg $0xFFFFFFFF  }
0xa7: {  	s28 =	simm.s32 $_size_execute0_lowered;
	s3 =	sadd.s32 s3, s5;
	[dreg:$0x0] =	wrdreg $0x0  }
0xa8: {  	s5 =	sshll.u32 s28, $0x1;
	[dreg:$0x2] =	wrdreg s3  }
0xa9: {  	[dreg:$0x3] =	wrdreg s5  }
0xaa: {  	[dreg:$0x4] =	wrdreg $0xC0  }
0xab: {  	_ =	task [dreg:s7], $0x5FFFF  }
0xac: {  	[dreg:$0x1] =	wrdreg $0xFFFFFFFF  }
0xad: {  	[dreg:$0x0] =	wrdreg $0x60  }
0xae: {  	[dreg:$0x2] =	wrdreg s24  }
0xaf: {  	[dreg:$0x3] =	wrdreg s2  }
0xb0: {  	[dreg:$0x4] =	wrdreg $0xA2000  }
0xb1: {  	[dreg:$0x5] =	wrdreg $0x9  }
0xb2: {  	_ =	task.clear_ibuf [dreg:s7], $0x6FFFF;
	_ =	strace $0x9000004C  }
0xb3: {  	s29 =	simm.s32 $0x9;
	_ =	strace $0x8000004E  }
0xb4: {  	_ =	swait.ge [sflag:s29], $0x1  }
0xb5: {  	[sflag:s29] =	ssyncadd.s32 $0xFFFFFFFF  }
0xb6: {  	_ =	strace $0x9000004E  }
0xb7: {  	_ =	sfence  }
0xb8: {  	s30 =	sld [smem:$0x0];
	_ =	sdelay $0x2  }
0xb9: {  	s31 =	sshll.u32 s1, $0xD;
	s1 =	sshrl.u32 s1, $0x2  }
0xba: {  	s3 =	sand.u32 $0x4000, s31;
	s1 =	sadd.s32 s1, s30  }
0xbb: {  	s0 =	sor.u32 s3, s0;
	s1 =	sshll.u32 s1, $0x11  }
0xbc: {  	s0 =	sor.u32 s1, s0  }
0xbd: {  	s0 =	sadd.s32 $0x8F2B, s0  }
0xbe: {  	[sflag:s0] =	ssyncadd.remote.s32 $0x1  }
0xbf: {  	_ =	sfence.sel $0xFFFF  }
0xc0: {  	[dreg:$0x0] =	wrdreg $0xFFFFFFFF;
	(pc) =	sbr.abs _section_cstart, $3  }
0xc1: {  	[dreg:$0x1] =	wrdreg $0xFFFFFFFF  }
0xc2: {  	_ =	task.clear_ibuf [dreg:s7], $0x2FFFF;
	_ =	strace $0x9FFFFFFF  }
0xc3: {  	(tm) =	ssettm $0x7FFFFFFF  }
tec
execute0_lowered:
.L_overlay_start_1:
0x0: {  	(tag) =	ssettag $0x1  }
0x1: {  	s0 =	rddreg [dreg:$0x0]  }
0x2: {  	s1 =	rddreg [dreg:$0x1]  }
0x3: {  	s2 =	rddreg [dreg:$0x2];
	s3 =	srdreg.scid;
	s4 =	simm.s32 $0x0  }
0x4: {  	s11 =	stileid.u32;
	s28 =	simm.s32 $0x100;
	s29 =	simm.s32 $0x2  }
0x5: {  	s30 =	simm.s32 $0x6200;
	s31 =	simm.s32 $0x4;
	s7 =	smul.u32 $0x14000, s11  }
0x6: {  	s3 =	sand.u32 $0x1, s3;
	[smem:$0x7FF] =	sst s4;
	s9 =	smul.u32 $0x50000, s11  }
0x7: {  	s14 =	sadd.s32 $0x10E00, s0;
	s8 =	sshll.u32 s11, $0x9;
	s5 =	smul.u32 $0x140000, s3  }
0x8: {  	s20 =	sshll.u32 s11, $0x6;
	s6 =	smul.u32 $0xFFFFFF98, s3;
	_ =	strace $0x8000004D  }
0x9: {  	s10 =	sadd.s32 s8, s0;
	s17 =	ssub.s32 $0x2, s3;
	p0 =	seq.s32 s3, $0x1  }
0xa: {  	s3 =	simm.s32 $0x0;
	s18 =	sshrl.u32 s17, $0x1;
	s19 =	sshrl.u32 s9, $0x2  }
0xb: {  	s23 =	sadd.s32 $0xEE00, s10;
	s24 =	sadd.s32 $0xCE00, s10;
	s6 =	sadd.s32 $0x84, s6  }
0xc: {  	s5 =	sadd.s32 s7, s5;
	s12 =	ssub.s32 s17, s18;
	[dreg:$0x5] =	wrdreg s23  }
0xd: {  	s15 =	sadd.s32 s19, s2;
	[dreg:$0x6] =	wrdreg s24;
	s23 =	simm.s32 $0x1  }
0xe: {  	s24 =	simm.s32 $0x80;
	s6 =	smul.u32 s11, s6;
	s7 =	sshrl.u32 s5, $0x3  }
0xf: {  	s5 =	sadd.s32 $0x2800, s0;
	s25 =	sadd.s32 $0x4000, s15;
	s26 =	sadd.s32 $0x8000, s15  }
0x10: {  	s19 =	sadd.s32 $0xC000, s15;
	s12 =	smax.u32 s12, $0x1;
	s0 =	sadd.s32 s7, s0  }
0x11: {  	s18 =	sshrl.u32 s26, $0x3;
	s19 =	sshrl.u32 s19, $0x3;
	s26 =	simm.s32 $0x3  }
0x12: {  	s13 =	sshll.u32 s6, $0x5;
	s6 =	sor.u32 $0x1C05, s20;
	s11 =	sadd.s32 $0x24E00, s0  }
0x13: {  	s20 =	sadd.s32 $0x10000, s15;
	s15 =	sshrl.u32 s15, $0x3;
	s0 =	simm.s32 $0x180  }
.Ltmp0:
0x14: {  	s21 =	sand.u32 $0x1FFFFF80, s13;
	s16 =	sor.u32 $0x60, s13;
	(pc) =	sbr.rel .LBB2_1-.Ltmp0, $4  }
0x15: {  	s13 =	sor.u32 $0x40, s13;
	s20 =	sshrl.u32 s20, $0x3;
	s7 =	sadd.s32 s14, s21  }
0x16: {  	s16 =	sand.u32 $0x1FFFFFE0, s16;
	s17 =	sand.u32 $0x1FFFFFC0, s13;
	s22 =	sadd.s32 $0x20, s7  }
0x17: {  	s13 =	sadd.s32 s16, s14;
	s14 =	sadd.s32 s17, s14;
	s16 =	simm.s32 $0x5  }
0x18: {  	s17 =	sshrl.u32 s25, $0x3;
	s25 =	simm.s32 $0x2200;
	[dreg:$0x4] =	wrdreg s22  }
.LBB2_7:
0x19: {  	s8 =	sadd.s32 $0x200, s21;
	[sflag:s16] =	ssyncadd.s32 $0xFFFFC000  }
0x1a: {  	[tilespmem:s25], [sflag:$0x3] =	stream.indirect.gather [hbm4b:s1+s24], $0x80, s8, s24, $0xb8;
	[tilespmem:$0x1E200] =	vst v63  }
0x1b: {  	_ =	swait.ge [sflag:s26], $0x4000  }
0x1c: {  	[sflag:s26] =	ssyncset.done $0x0  }
0x1d: {  	s22 =	sadd.s32 $0x1200, s21;
	[sflag:s26] =	ssyncadd.s32 $0xFFFFC000  }
0x1e: {  	[spmem:s2] =	stream.indirect.scatter.add.f32 [tilespmem:s25], [sflag:$0x5], $0x80, s22, s24, $0xb8;
	[tilespmem:$0x1E200] =	vst v63  }
0x1f: {  	_ =	swait.ge [sflag:s16], $0x4000  }
0x20: {  	[sflag:s16] =	ssyncset.done $0x0  }
0x21: {  	[sflag:s16] =	ssyncadd.s32 $0xFFFFC000  }
.LBB2_8:
0x22: {  	s3 =	sadd.s32 $0x1, s3  }
0x23: {  	p1 =	sne.s32 s3, s12  }
.Ltmp1:
0x24: {  	[bflag:$0x0] =	sbarrier.arrive $0xFFFF;
	(pc) =	sbr.rel @!p1 .LBB2_9-.Ltmp1, $4  }
0x25: {  	[hbm:s11], [sflag:s6] =	dma.local [spmem:s15], $0x2800  }
0x26: {  	_ =	swait.ge [sflag:s16], $0x2800  }
0x27: {  	[sflag:s16] =	ssyncset.done $0x0  }
0x28: {  	[sflag:s16] =	ssyncadd.s32 $0xFFFFD800  }
.LBB2_1:
0x29: {  	[spmem:s15], [sflag:s6] =	dma.local [hbm:s5], $0x800  }
0x2a: {  	_ =	swait.ge [sflag:s16], $0x800  }
0x2b: {  	[sflag:s16] =	ssyncset.done $0x0  }
0x2c: {  	[sflag:s16] =	ssyncadd.s32 $0xFFFFF800  }
0x2d: {  	[spmem:s17], [sflag:s6] =	dma.local [hbm:s5], $0x800  }
0x2e: {  	_ =	swait.ge [sflag:s16], $0x800  }
0x2f: {  	[sflag:s16] =	ssyncset.done $0x0  }
0x30: {  	[sflag:s16] =	ssyncadd.s32 $0xFFFFF800  }
0x31: {  	[spmem:s18], [sflag:s6] =	dma.local [hbm:s5], $0x800  }
0x32: {  	_ =	swait.ge [sflag:s16], $0x800  }
0x33: {  	[sflag:s16] =	ssyncset.done $0x0  }
0x34: {  	[sflag:s16] =	ssyncadd.s32 $0xFFFFF800  }
0x35: {  	[spmem:s19], [sflag:s6] =	dma.local [hbm:s5], $0x800  }
0x36: {  	_ =	swait.ge [sflag:s16], $0x800  }
0x37: {  	[sflag:s16] =	ssyncset.done $0x0  }
0x38: {  	[sflag:s16] =	ssyncadd.s32 $0xFFFFF800  }
0x39: {  	[spmem:s20], [sflag:s6] =	dma.local [hbm:s5], $0x800  }
.Ltmp2:
0x3a: {  	_ =	swait.ge [sflag:s16], $0x800;
	(pc) =	sbr.rel @!p0 .LBB2_2-.Ltmp2, $3  }
0x3b: {  	[sflag:s16] =	ssyncset.done $0x0  }
0x3c: {  	[sflag:s16] =	ssyncadd.s32 $0xFFFFF800  }
0x3d: {  	[bflag:$0x0] =	sbarrier.arrive $0xFFFF;
	_ =	sdelay $0x1  }
0x3e: {  	s8 =	simm.s32 $0x0;
	s9 =	rddreg [dreg:$0x5];
	s10 =	simm.s32 $0x200  }
0x3f: {  	[tilespmem:s10], [sflag:$0x1] =	stream.linear.gather [hbm4b:s9+s8], $0xE00, $0x38;
	[tilespmem:$0x1E200] =	vst v63  }
0x40: {  	s21 =	rddreg [dreg:$0x6];
	s22 =	simm.s32 $0x1200  }
0x41: {  	[tilespmem:s22], [sflag:$0x1] =	stream.linear.gather [hbm4b:s21+s8], $0xE00, $0x38;
	[tilespmem:$0x1E200] =	vst v63  }
0x42: {  	_ =	swait.ge [sflag:s23], $0xE00  }
0x43: {  	[sflag:s23] =	ssyncset.done $0x0  }
0x44: {  	[sflag:s23] =	ssyncadd.s32 $0xFFFFF200  }
0x45: {  	_ =	swait.ge [sflag:s23], $0xE00  }
0x46: {  	[sflag:s23] =	ssyncset.done $0x0  }
0x47: {  	s21 =	simm.s32 $0x200;
	[sflag:s23] =	ssyncadd.s32 $0xFFFFF200  }
0x48: {  	[tilespmem:s25], [sflag:$0x3] =	stream.indirect.gather [hbm4b:s1+s24], $0x80, s21, s24, $0xb8;
	[tilespmem:$0x1E200] =	vst v63  }
0x49: {  	_ =	swait.ge [sflag:s26], $0x4000  }
0x4a: {  	[sflag:s26] =	ssyncset.done $0x0  }
0x4b: {  	s22 =	simm.s32 $0x1200;
	[sflag:s26] =	ssyncadd.s32 $0xFFFFC000  }
0x4c: {  	[spmem:s2] =	stream.indirect.scatter.add.f32 [tilespmem:s25], [sflag:$0x5], $0x80, s22, s24, $0xb8;
	[tilespmem:$0x1E200] =	vst v63  }
0x4d: {  	_ =	swait.ge [sflag:s16], $0x4000  }
0x4e: {  	s21 =	simm.s32 $0x80;
	s22 =	simm.s32 $0x400;
	[sflag:s16] =	ssyncset.done $0x0  }
.LBB2_6:
0x4f: {  	s8 =	sadd.s32 $0x200, s21  }
0x50: {  	[sflag:s16] =	ssyncadd.s32 $0xFFFFC000;
	s9 =	smov.u32 s22;
	s10 =	sadd.s32 $0x200, s22  }
0x51: {  	[tilespmem:s25], [sflag:$0x3] =	stream.indirect.gather [hbm4b:s1+s24], $0x80, s8, s24, $0xb8;
	[tilespmem:$0x1E200] =	vst v63  }
0x52: {  	p1 =	sne.s32 s22, $0x3600;
	_ =	swait.ge [sflag:s26], $0x4000  }
.Ltmp3:
0x53: {  	[sflag:s26] =	ssyncset.done $0x0;
	(pc) =	sbr.rel @p1 .LBB2_6-.Ltmp3, $4  }
0x54: {  	s8 =	sadd.s32 $0x1200, s21;
	[sflag:s26] =	ssyncadd.s32 $0xFFFFC000  }
0x55: {  	[spmem:s2] =	stream.indirect.scatter.add.f32 [tilespmem:s25], [sflag:$0x5], $0x80, s8, s24, $0xb8;
	[tilespmem:$0x1E200] =	vst v63  }
0x56: {  	_ =	swait.ge [sflag:s16], $0x4000  }
0x57: {  	s21 =	sshra.s32 s9, $0x2;
	s22 =	smov.u32 s10;
	[sflag:s16] =	ssyncset.done $0x0  }
.Ltmp4:
0x58: {  	_ = 	snop;
	(pc) =	sbr.rel .LBB2_7-.Ltmp4, $1  }
0x59: {  	_ =	sdelay $0x3  }
.LBB2_2:
0x5a: {  	s21 =	simm.s32 $0x0  }
0x5b: {  	[tilespmem:s21], [sflag:$0x1] =	stream.linear.gather [hbm4b:s7+s21], $0x100, $0x38;
	[tilespmem:$0x1E200] =	vst v63  }
0x5c: {  	_ =	swait.ge [sflag:s23], $0x100  }
0x5d: {  	[sflag:s23] =	ssyncset.done $0x0  }
0x5e: {  	[sflag:s23] =	ssyncadd.s32 $0xFFFFFF00  }
0x5f: {  	[tilespmem:s25], [sflag:$0x3] =	stream.indirect.gather [hbm4b:s1+s24], $0x80, s21, s24, $0xb8;
	[tilespmem:$0x1E200] =	vst v63  }
0x60: {  	s8 =	rddreg [dreg:$0x4]  }
0x61: {  	[tilespmem:s28], [sflag:$0x2] =	stream.linear.gather [hbm4b:s8+s21], $0x100, $0x38;
	[tilespmem:$0x1E200] =	vst v63  }
0x62: {  	_ =	swait.ge [sflag:s26], $0x4000  }
0x63: {  	[sflag:s26] =	ssyncset.done $0x0  }
0x64: {  	[sflag:s26] =	ssyncadd.s32 $0xFFFFC000  }
0x65: {  	_ =	swait.ge [sflag:s29], $0x100  }
0x66: {  	[sflag:s29] =	ssyncset.done $0x0  }
0x67: {  	[sflag:s29] =	ssyncadd.s32 $0xFFFFFF00  }
0x68: {  	[tilespmem:s30], [sflag:$0x4] =	stream.indirect.gather [hbm4b:s1+s24], $0x80, s28, s24, $0xb8;
	[tilespmem:$0x1E200] =	vst v63  }
0x69: {  	_ = 	snop  }
0x6a: {  	[spmem:s2] =	stream.indirect.scatter.add.f32 [tilespmem:s25], [sflag:$0x5], $0x80, s24, s24, $0xb8;
	[tilespmem:$0x1E200] =	vst v63  }
0x6b: {  	_ =	swait.ge [sflag:s16], $0x4000  }
0x6c: {  	[sflag:s16] =	ssyncset.done $0x0  }
0x6d: {  	s22 =	sadd.s32 $0x0, s14;
	[sflag:s16] =	ssyncadd.s32 $0xFFFFC000  }
0x6e: {  	[tilespmem:s4], [sflag:$0x1] =	stream.linear.gather [hbm4b:s22+s4], $0x100, $0x38;
	[tilespmem:$0x1E200] =	vst v63  }
0x6f: {  	_ =	swait.ge [sflag:s31], $0x4000  }
0x70: {  	[sflag:s31] =	ssyncset.done $0x0  }
0x71: {  	[sflag:s31] =	ssyncadd.s32 $0xFFFFC000  }
0x72: {  	_ =	swait.ge [sflag:s23], $0x100  }
0x73: {  	[sflag:s23] =	ssyncset.done $0x0  }
0x74: {  	[sflag:s23] =	ssyncadd.s32 $0xFFFFFF00  }
0x75: {  	[tilespmem:s25], [sflag:$0x3] =	stream.indirect.gather [hbm4b:s1+s24], $0x80, s4, s24, $0xb8;
	[tilespmem:$0x1E200] =	vst v63  }
0x76: {  	_ = 	snop  }
0x77: {  	[spmem:s2] =	stream.indirect.scatter.add.f32 [tilespmem:s30], [sflag:$0x5], $0x80, s0, s24, $0xb8;
	[tilespmem:$0x1E200] =	vst v63  }
0x78: {  	_ =	swait.ge [sflag:s16], $0x4000  }
0x79: {  	[sflag:s16] =	ssyncset.done $0x0  }
0x7a: {  	s21 =	simm.s32 $0x40;
	s22 =	sadd.s32 $0x0, s13;
	[sflag:s16] =	ssyncadd.s32 $0xFFFFC000  }
.LBB2_3:
0x7b: {  	[tilespmem:s28], [sflag:$0x2] =	stream.linear.gather [hbm4b:s22+s4], $0x100, $0x38;
	[tilespmem:$0x1E200] =	vst v63  }
0x7c: {  	s22 =	smov.u32 s21  }
0x7d: {  	p1 =	sne.s32 s21, $0x1000;
	s21 =	sadd.s32 $0x40, s21;
	_ =	swait.ge [sflag:s26], $0x4000  }
0x7e: {  	[sflag:s26] =	ssyncset.done $0x0  }
0x7f: {  	[sflag:s26] =	ssyncadd.s32 $0xFFFFC000  }
0x80: {  	_ =	swait.ge [sflag:s29], $0x100  }
0x81: {  	[sflag:s29] =	ssyncset.done $0x0  }
0x82: {  	[sflag:s29] =	ssyncadd.s32 $0xFFFFFF00  }
0x83: {  	[tilespmem:s30], [sflag:$0x4] =	stream.indirect.gather [hbm4b:s1+s24], $0x80, s28, s24, $0xb8;
	[tilespmem:$0x1E200] =	vst v63  }
0x84: {  	_ = 	snop  }
0x85: {  	[spmem:s2] =	stream.indirect.scatter.add.f32 [tilespmem:s25], [sflag:$0x5], $0x80, s24, s24, $0xb8;
	[tilespmem:$0x1E200] =	vst v63  }
0x86: {  	_ =	swait.ge [sflag:s16], $0x4000  }
0x87: {  	[sflag:s16] =	ssyncset.done $0x0  }
0x88: {  	s8 =	sadd.s32 s22, s14;
	[sflag:s16] =	ssyncadd.s32 $0xFFFFC000  }
0x89: {  	[tilespmem:s4], [sflag:$0x1] =	stream.linear.gather [hbm4b:s8+s4], $0x100, $0x38;
	[tilespmem:$0x1E200] =	vst v63  }
0x8a: {  	_ =	swait.ge [sflag:s31], $0x4000  }
0x8b: {  	[sflag:s31] =	ssyncset.done $0x0  }
0x8c: {  	[sflag:s31] =	ssyncadd.s32 $0xFFFFC000  }
0x8d: {  	_ =	swait.ge [sflag:s23], $0x100  }
0x8e: {  	[sflag:s23] =	ssyncset.done $0x0  }
0x8f: {  	[sflag:s23] =	ssyncadd.s32 $0xFFFFFF00  }
0x90: {  	[tilespmem:s25], [sflag:$0x3] =	stream.indirect.gather [hbm4b:s1+s24], $0x80, s4, s24, $0xb8;
	[tilespmem:$0x1E200] =	vst v63  }
.Ltmp5:
0x91: {  	(pc) =	sbr.rel @p1 .LBB2_3-.Ltmp5, $4  }
0x92: {  	[spmem:s2] =	stream.indirect.scatter.add.f32 [tilespmem:s30], [sflag:$0x5], $0x80, s0, s24, $0xb8;
	[tilespmem:$0x1E200] =	vst v63  }
0x93: {  	_ =	swait.ge [sflag:s16], $0x4000  }
0x94: {  	[sflag:s16] =	ssyncset.done $0x0  }
0x95: {  	s22 =	sadd.s32 s22, s13;
	[sflag:s16] =	ssyncadd.s32 $0xFFFFC000  }
0x96: {  	[tilespmem:s28], [sflag:$0x2] =	stream.linear.gather [hbm4b:s22+s4], $0x100, $0x38;
	[tilespmem:$0x1E200] =	vst v63  }
0x97: {  	_ =	swait.ge [sflag:s26], $0x4000  }
0x98: {  	[sflag:s26] =	ssyncset.done $0x0  }
0x99: {  	[sflag:s26] =	ssyncadd.s32 $0xFFFFC000  }
0x9a: {  	_ =	swait.ge [sflag:s29], $0x100  }
0x9b: {  	[sflag:s29] =	ssyncset.done $0x0  }
0x9c: {  	[sflag:s29] =	ssyncadd.s32 $0xFFFFFF00  }
0x9d: {  	[tilespmem:s30], [sflag:$0x4] =	stream.indirect.gather [hbm4b:s1+s24], $0x80, s28, s24, $0xb8;
	[tilespmem:$0x1E200] =	vst v63  }
0x9e: {  	_ = 	snop  }
0x9f: {  	[spmem:s2] =	stream.indirect.scatter.add.f32 [tilespmem:s25], [sflag:$0x5], $0x80, s24, s24, $0xb8;
	[tilespmem:$0x1E200] =	vst v63  }
0xa0: {  	_ =	swait.ge [sflag:s16], $0x4000  }
0xa1: {  	[sflag:s16] =	ssyncset.done $0x0  }
0xa2: {  	[sflag:s16] =	ssyncadd.s32 $0xFFFFC000  }
0xa3: {  	_ =	swait.ge [sflag:s31], $0x4000  }
0xa4: {  	[sflag:s31] =	ssyncset.done $0x0  }
.Ltmp6:
0xa5: {  	[sflag:s31] =	ssyncadd.s32 $0xFFFFC000;
	(pc) =	sbr.rel .LBB2_8-.Ltmp6, $4  }
0xa6: {  	[spmem:s2] =	stream.indirect.scatter.add.f32 [tilespmem:s30], [sflag:$0x5], $0x80, s0, s24, $0xb8;
	[tilespmem:$0x1E200] =	vst v63  }
0xa7: {  	_ =	swait.ge [sflag:s16], $0x4000  }
0xa8: {  	[sflag:s16] =	ssyncset.done $0x0  }
0xa9: {  	[sflag:s16] =	ssyncadd.s32 $0xFFFFC000  }
.LBB2_9:
0xaa: {  	_ =	sfence.sel $0x180000  }
0xab: {  	[bflag:$0x0] =	sbarrier.arrive $0xFFFF  }
0xac: {  	_ =	strace $0x9000004D  }
0xad: {  	s0 =	stileid.u32;
	[bflag:$0x2] =	sbarrier.arrive $0xFFFF  }
0xae: {  	p0 =	sne.s32 s0, $0x0;
	s0 =	rddreg [dreg:$0x3]  }
0xaf: {  	s0 =	sadd.s32 @!p0 $0x100000, s0  }
0xb0: {  	[sflag:s0] =	ssyncadd.tile.s32 @!p0 $0x1;
	_ =	shalt  }
.Lfunc_end2:
_tile_overlayer_lowered:
.L_overlay_start_2:
0xb1: {  	(tag) =	ssettag $0x2  }
0xb2: {  	s0 =	rddreg [dreg:$0x0];
	s2 =	stileid.u32  }
0xb3: {  	s1 =	rddreg [dreg:$0x1];
	p0 =	sne.s32 s2, $0x0  }
0xb4: {  	s3 =	rddreg [dreg:$0x2];
	[bflag:$0x3] =	sbarrier.arrive $0xFFFF;
	s2 =	simm.s32 @!p0 $0x1C05  }
0xb5: {  	[timem:s3], [sflag:s2] =	dma.local @!p0 [hbm:s0], s1  }
0xb6: {  	s0 =	simm.s32 @!p0 $0x5  }
0xb7: {  	_ =	swait.ge @!p0 [sflag:s0], s1  }
0xb8: {  	s1 =	ssub.s32 @!p0 $0x0, s1;
	[sflag:s0] =	ssyncset.done @!p0 $0x0  }
0xb9: {  	[sflag:s0] =	ssyncadd.s32 @!p0 s1  }
0xba: {  	[bflag:$0x3] =	sbarrier.arrive $0xFFFF  }
0xbb: {  	_ =	shalt  }

</sc_bundles>
